<compile_context>
chip_gen: v7x
topology: tpu7x:2x2x1
jax: 0.10.2.dev20260603
libtpu: 0.0.44.dev20260713+nightly
codegen_flags: <defaults>
</compile_context>

<pallas_src>
import functools

import jax
import jax.numpy as jnp
import numpy as np
from jax import lax
from jax.experimental import pallas as pl
from jax.experimental.pallas import tpu as pltpu
from jax.experimental.pallas import tpu_sc as plsc

N = 128
D = N * (N + 1) // 2
NN = N * N


def _sym_index_table() -> np.ndarray:
    iu = np.triu_indices(N)
    idxmat = np.zeros((N, N), dtype=np.int64)
    idxmat[iu] = np.arange(D, dtype=np.int64)
    idxmat = idxmat + idxmat.T - np.diag(np.diag(idxmat))
    return idxmat.reshape(-1).astype(np.int32)


_IDX_TABLE = _sym_index_table()

_INFO = plsc.get_sparse_core_info()
_NC = _INFO.num_cores
_NS = _INFO.num_subcores
_L = _INFO.num_lanes
_NW = _NC * _NS

_UNROLL = 8
_NBUF = 2


def _make_sc_kernel(batch: int):
    rows_per_w = batch // _NW
    pairs = rows_per_w // _NBUF
    mesh = plsc.VectorSubcoreMesh(core_axis_name="c", subcore_axis_name="s")

    @functools.partial(
        pl.kernel,
        mesh=mesh,
        out_type=jax.ShapeDtypeStruct((batch, NN), jnp.float32),
        scratch_types=[
            pltpu.VMEM((NN,), jnp.int32),
            pltpu.VMEM((_NBUF, D), jnp.float32),
            pltpu.VMEM((_NBUF, NN), jnp.float32),
            pltpu.SemaphoreType.DMA,
            pltpu.SemaphoreType.DMA,
            pltpu.SemaphoreType.DMA,
            pltpu.SemaphoreType.DMA,
        ],
        compiler_params=pltpu.CompilerParams(needs_layout_passes=False),
    )
    def sc_gather(x_hbm, idx_hbm, out_hbm, idx_v, x_v, o_v,
                  in_sem0, in_sem1, out_sem0, out_sem1):
        in_sems = (in_sem0, in_sem1)
        out_sems = (out_sem0, out_sem1)
        wid = lax.axis_index("s") * _NC + lax.axis_index("c")
        base_row = wid * rows_per_w
        pltpu.sync_copy(idx_hbm, idx_v)

        for b in range(_NBUF):
            pltpu.async_copy(x_hbm.at[base_row + b], x_v.at[b], in_sems[b])

        def pair_body(k, carry):
            for b in range(_NBUF):
                r = k * _NBUF + b
                row = base_row + r
                pltpu.make_async_copy(
                    x_hbm.at[row], x_v.at[b], in_sems[b]).wait()

                @pl.when(k > 0)
                def _wait_out():
                    pltpu.make_async_copy(
                        o_v.at[b], out_hbm.at[row], out_sems[b]).wait()

                bvec = jnp.full((_L,), b, dtype=jnp.int32)

                def chunk_body(c, carry2):
                    base = c * (_L * _UNROLL)
                    for u in range(_UNROLL):
                        off = base + u * _L
                        ids = idx_v[pl.ds(off, _L)]
                        vals = plsc.load_gather(x_v, [bvec, ids])
                        o_v[b, pl.ds(off, _L)] = vals
                    return carry2

                lax.fori_loop(0, NN // (_L * _UNROLL), chunk_body, 0,
                              unroll=False)
                pltpu.async_copy(o_v.at[b], out_hbm.at[row], out_sems[b])

                @pl.when(r + _NBUF < rows_per_w)
                def _next_in():
                    pltpu.async_copy(
                        x_hbm.at[row + _NBUF], x_v.at[b], in_sems[b])
            return carry

        lax.fori_loop(0, pairs, pair_body, 0, unroll=False)
        for b in range(_NBUF):
            last = base_row + rows_per_w - _NBUF + b
            pltpu.make_async_copy(
                o_v.at[b], out_hbm.at[last], out_sems[b]).wait()

    return sc_gather


def kernel(x):
    batch, d = x.shape
    assert d == D and batch % _NW == 0
    idx = jnp.asarray(_IDX_TABLE)
    out = _make_sc_kernel(batch)(x, idx)
    return out.reshape(batch, N, N)

# --- scband reference (transcript-rebuilt; emitter-appended) ---
"""Pipeline reference for scband-transpose-flatten-symmetric-67851893342504 (READ-ONLY COPY).

The authoritative reference and input builder live on the scoring server;
editing this copy changes nothing except your own understanding.
"""

import jax, jax.numpy as jnp
import numpy as np

N = 128
D = N * (N + 1) // 2  # 8256
BATCH = 1024

def _sym_index_matrix(n, d):
    # Map flattened upper-triangular vector positions back to a full
    # symmetric n x n index matrix (inverse of FlattenSymmetric).
    iu = np.triu_indices(n)
    idxmat = np.zeros((n, n), dtype=np.int64)
    idxmat[iu] = np.arange(d, dtype=np.int64)
    idxmat = idxmat + idxmat.T - np.diag(np.diag(idxmat))
    return idxmat.reshape(-1)

def setup_inputs(seed: int = 0) -> dict:
    key = jax.random.key(seed)
    x = jax.random.normal(key, (BATCH, D), dtype=jnp.float32)
    return {"x": x}

def reference(x):
    batch, d = x.shape
    n = int((np.sqrt(8.0 * d + 1.0) - 1.0) / 2.0)
    idx = jnp.asarray(_sym_index_matrix(n, d))  # [n*n]
    # Gather each flattened entry into its (i, j) and (j, i) positions.
    out = jnp.take(x, idx, axis=1).reshape(batch, n, n)
    return out

if __name__ == "__main__":
    import jax
    _d = setup_inputs()
    print(jax.jit(kernel)(*tuple(_d.values())))

</pallas_src>

<mosaic_0001>
#map = affine_map<(d0, d1) -> (0, 0)>
#map1 = affine_map<(d0, d1) -> (0)>
module attributes {stable_mosaic.version = 14 : i64} {
  func.func @sc_gather(%arg0: i32, %arg1: i32, %arg2: memref<1024x8256xf32, #tpu.memory_space<hbm>>, %arg3: memref<16384xi32, #tpu.memory_space<hbm>>, %arg4: memref<1024x16384xf32, #tpu.memory_space<hbm>>, %arg5: memref<16384xi32, #tpu.memory_space<vmem>>, %arg6: memref<2x8256xf32, #tpu.memory_space<vmem>>, %arg7: memref<2x16384xf32, #tpu.memory_space<vmem>>, %arg8: memref<!tpu.dma_semaphore, #tpu.memory_space<semaphore_mem>>, %arg9: memref<!tpu.dma_semaphore, #tpu.memory_space<semaphore_mem>>, %arg10: memref<!tpu.dma_semaphore, #tpu.memory_space<semaphore_mem>>, %arg11: memref<!tpu.dma_semaphore, #tpu.memory_space<semaphore_mem>>) attributes {dimension_semantics = [#tpu.dimension_semantics<core_parallel>, #tpu.dimension_semantics<subcore_parallel>], iteration_bounds = array<i64: 2, 16>, scalar_prefetch = 0 : i64, scratch_operands = 7 : i64, tpu.core_type = #tpu.core_type<sc_vector_subcore>, window_params = [{transform_indices = #map}, {transform_indices = #map1}, {transform_indices = #map}]} {
    %mul3A = arith.constant 2 : i32
    %mul3A_0 = arith.muli %arg1, %mul3A : i32
    %add3A = arith.addi %mul3A_0, %arg0 : i32
    %mul3A_1 = arith.constant 32 : i32
    %mul3A_2 = arith.muli %add3A, %mul3A_1 : i32
    "tpu.region"() ({
      %run_scoped3A = tpu.sem_alloc : memref<!tpu.dma_semaphore, #tpu.memory_space<semaphore_mem>>
      tpu.enqueue_dma source(%arg3 : memref<16384xi32, #tpu.memory_space<hbm>>) target(%arg5 : memref<16384xi32, #tpu.memory_space<vmem>>) target_semaphore(%run_scoped3A : memref<!tpu.dma_semaphore, #tpu.memory_space<semaphore_mem>>)
      tpu.wait_dma2 semaphore(%run_scoped3A : memref<!tpu.dma_semaphore, #tpu.memory_space<semaphore_mem>>) src(%arg3 : memref<16384xi32, #tpu.memory_space<hbm>>) dst(%arg5 : memref<16384xi32, #tpu.memory_space<vmem>>)
      tpu.yield
    }) : () -> ()
    %add3A_3 = arith.constant 0 : i32
    %add3A_4 = arith.addi %mul3A_2, %add3A_3 : i32
    %dma_start3A = arith.constant 0 : i32
    %dma_start3A_5 = arith.constant 0 : i32
    %dma_start3A_6 = tpu.memref_slice %arg6[%dma_start3A, %dma_start3A_5] : memref<2x8256xf32, #tpu.memory_space<vmem>> -> memref<1x8256xf32, #tpu.memory_space<vmem>>
    %dma_start3A_7 = tpu.memref_squeeze %dma_start3A_6 : memref<1x8256xf32, #tpu.memory_space<vmem>> -> memref<8256xf32, #tpu.memory_space<vmem>>
    %dma_start3A_8 = arith.constant 0 : i32
    %dma_start3A_9 = tpu.memref_slice %arg2[%add3A_4, %dma_start3A_8] : memref<1024x8256xf32, #tpu.memory_space<hbm>> -> memref<1x8256xf32, #tpu.memory_space<hbm>>
    %dma_start3A_10 = tpu.memref_squeeze %dma_start3A_9 : memref<1x8256xf32, #tpu.memory_space<hbm>> -> memref<8256xf32, #tpu.memory_space<hbm>>
    %dma_start3A_11 = arith.constant 0 : i32
    %dma_start3A_12 = tpu.memref_slice %arg6[%dma_start3A, %dma_start3A_11] : memref<2x8256xf32, #tpu.memory_space<vmem>> -> memref<1x8256xf32, #tpu.memory_space<vmem>>
    %dma_start3A_13 = tpu.memref_squeeze %dma_start3A_12 : memref<1x8256xf32, #tpu.memory_space<vmem>> -> memref<8256xf32, #tpu.memory_space<vmem>>
    %dma_start3A_14 = arith.constant 0 : i32
    %dma_start3A_15 = tpu.memref_slice %arg2[%add3A_4, %dma_start3A_14] : memref<1024x8256xf32, #tpu.memory_space<hbm>> -> memref<1x8256xf32, #tpu.memory_space<hbm>>
    %dma_start3A_16 = tpu.memref_squeeze %dma_start3A_15 : memref<1x8256xf32, #tpu.memory_space<hbm>> -> memref<8256xf32, #tpu.memory_space<hbm>>
    tpu.enqueue_dma source(%dma_start3A_16 : memref<8256xf32, #tpu.memory_space<hbm>>) target(%dma_start3A_13 : memref<8256xf32, #tpu.memory_space<vmem>>) target_semaphore(%arg8 : memref<!tpu.dma_semaphore, #tpu.memory_space<semaphore_mem>>)
    %add3A_17 = arith.constant 1 : i32
    %add3A_18 = arith.addi %mul3A_2, %add3A_17 : i32
    %dma_start3A_19 = arith.constant 1 : i32
    %dma_start3A_20 = arith.constant 0 : i32
    %dma_start3A_21 = tpu.memref_slice %arg6[%dma_start3A_19, %dma_start3A_20] : memref<2x8256xf32, #tpu.memory_space<vmem>> -> memref<1x8256xf32, #tpu.memory_space<vmem>>
    %dma_start3A_22 = tpu.memref_squeeze %dma_start3A_21 : memref<1x8256xf32, #tpu.memory_space<vmem>> -> memref<8256xf32, #tpu.memory_space<vmem>>
    %dma_start3A_23 = arith.constant 0 : i32
    %dma_start3A_24 = tpu.memref_slice %arg2[%add3A_18, %dma_start3A_23] : memref<1024x8256xf32, #tpu.memory_space<hbm>> -> memref<1x8256xf32, #tpu.memory_space<hbm>>
    %dma_start3A_25 = tpu.memref_squeeze %dma_start3A_24 : memref<1x8256xf32, #tpu.memory_space<hbm>> -> memref<8256xf32, #tpu.memory_space<hbm>>
    %dma_start3A_26 = arith.constant 0 : i32
    %dma_start3A_27 = tpu.memref_slice %arg6[%dma_start3A_19, %dma_start3A_26] : memref<2x8256xf32, #tpu.memory_space<vmem>> -> memref<1x8256xf32, #tpu.memory_space<vmem>>
    %dma_start3A_28 = tpu.memref_squeeze %dma_start3A_27 : memref<1x8256xf32, #tpu.memory_space<vmem>> -> memref<8256xf32, #tpu.memory_space<vmem>>
    %dma_start3A_29 = arith.constant 0 : i32
    %dma_start3A_30 = tpu.memref_slice %arg2[%add3A_18, %dma_start3A_29] : memref<1024x8256xf32, #tpu.memory_space<hbm>> -> memref<1x8256xf32, #tpu.memory_space<hbm>>
    %dma_start3A_31 = tpu.memref_squeeze %dma_start3A_30 : memref<1x8256xf32, #tpu.memory_space<hbm>> -> memref<8256xf32, #tpu.memory_space<hbm>>
    tpu.enqueue_dma source(%dma_start3A_31 : memref<8256xf32, #tpu.memory_space<hbm>>) target(%dma_start3A_28 : memref<8256xf32, #tpu.memory_space<vmem>>) target_semaphore(%arg9 : memref<!tpu.dma_semaphore, #tpu.memory_space<semaphore_mem>>)
    %scan3A = arith.constant 0 : i32
    %scan3A_32 = arith.constant 0 : i32
    %scan3A_33 = arith.constant 16 : i32
    %scan3A_34 = arith.addi %scan3A_32, %scan3A_33 : i32
    %scan3A_35 = arith.constant 1 : i32
    scf.for %scan3A_73 = %scan3A_32 to %scan3A_34 step %scan3A_35  : i32 {
      %mul3A_74 = arith.constant 2 : i32
      %mul3A_75 = arith.muli %scan3A_73, %mul3A_74 : i32
      %add3A_76 = arith.constant 0 : i32
      %add3A_77 = arith.addi %mul3A_75, %add3A_76 : i32
      %add3A_78 = arith.addi %mul3A_2, %add3A_77 : i32
      %dma_wait3A_79 = arith.constant 0 : i32
      %dma_wait3A_80 = arith.constant 0 : i32
      %dma_wait3A_81 = tpu.memref_slice %arg6[%dma_wait3A_79, %dma_wait3A_80] : memref<2x8256xf32, #tpu.memory_space<vmem>> -> memref<1x8256xf32, #tpu.memory_space<vmem>>
      %dma_wait3A_82 = tpu.memref_squeeze %dma_wait3A_81 : memref<1x8256xf32, #tpu.memory_space<vmem>> -> memref<8256xf32, #tpu.memory_space<vmem>>
      %dma_wait3A_83 = arith.constant 0 : i32
      %dma_wait3A_84 = tpu.memref_slice %arg2[%add3A_78, %dma_wait3A_83] : memref<1024x8256xf32, #tpu.memory_space<hbm>> -> memref<1x8256xf32, #tpu.memory_space<hbm>>
      %dma_wait3A_85 = tpu.memref_squeeze %dma_wait3A_84 : memref<1x8256xf32, #tpu.memory_space<hbm>> -> memref<8256xf32, #tpu.memory_space<hbm>>
      %dma_wait3A_86 = arith.constant 0 : i32
      %dma_wait3A_87 = tpu.memref_slice %arg6[%dma_wait3A_79, %dma_wait3A_86] : memref<2x8256xf32, #tpu.memory_space<vmem>> -> memref<1x8256xf32, #tpu.memory_space<vmem>>
      %dma_wait3A_88 = tpu.memref_squeeze %dma_wait3A_87 : memref<1x8256xf32, #tpu.memory_space<vmem>> -> memref<8256xf32, #tpu.memory_space<vmem>>
      %dma_wait3A_89 = arith.constant 0 : i32
      %dma_wait3A_90 = tpu.memref_slice %arg2[%add3A_78, %dma_wait3A_89] : memref<1024x8256xf32, #tpu.memory_space<hbm>> -> memref<1x8256xf32, #tpu.memory_space<hbm>>
      %dma_wait3A_91 = tpu.memref_squeeze %dma_wait3A_90 : memref<1x8256xf32, #tpu.memory_space<hbm>> -> memref<8256xf32, #tpu.memory_space<hbm>>
      tpu.wait_dma2 semaphore(%arg8 : memref<!tpu.dma_semaphore, #tpu.memory_space<semaphore_mem>>) src(%dma_wait3A_91 : memref<8256xf32, #tpu.memory_space<hbm>>) dst(%dma_wait3A_88 : memref<8256xf32, #tpu.memory_space<vmem>>)
      %gt3A = arith.constant 0 : i32
      %gt3A_92 = arith.cmpi sgt, %scan3A_73, %gt3A : i32
      %convert_element_type3A = arith.extui %gt3A_92 : i1 to i32
      %cond3A = arith.constant 0 : i32
      %cond3A_93 = arith.cmpi ne, %convert_element_type3A, %cond3A : i32
      scf.if %cond3A_93 {
        %dma_wait3A_171 = arith.constant 0 : i32
        %dma_wait3A_172 = arith.constant 0 : i32
        %dma_wait3A_173 = tpu.memref_slice %arg7[%dma_wait3A_171, %dma_wait3A_172] : memref<2x16384xf32, #tpu.memory_space<vmem>> -> memref<1x16384xf32, #tpu.memory_space<vmem>>
        %dma_wait3A_174 = tpu.memref_squeeze %dma_wait3A_173 : memref<1x16384xf32, #tpu.memory_space<vmem>> -> memref<16384xf32, #tpu.memory_space<vmem>>
        %dma_wait3A_175 = arith.constant 0 : i32
        %dma_wait3A_176 = tpu.memref_slice %arg4[%add3A_78, %dma_wait3A_175] : memref<1024x16384xf32, #tpu.memory_space<hbm>> -> memref<1x16384xf32, #tpu.memory_space<hbm>>
        %dma_wait3A_177 = tpu.memref_squeeze %dma_wait3A_176 : memref<1x16384xf32, #tpu.memory_space<hbm>> -> memref<16384xf32, #tpu.memory_space<hbm>>
        %dma_wait3A_178 = arith.constant 0 : i32
        %dma_wait3A_179 = tpu.memref_slice %arg4[%add3A_78, %dma_wait3A_178] : memref<1024x16384xf32, #tpu.memory_space<hbm>> -> memref<1x16384xf32, #tpu.memory_space<hbm>>
        %dma_wait3A_180 = tpu.memref_squeeze %dma_wait3A_179 : memref<1x16384xf32, #tpu.memory_space<hbm>> -> memref<16384xf32, #tpu.memory_space<hbm>>
        %dma_wait3A_181 = arith.constant 0 : i32
        %dma_wait3A_182 = tpu.memref_slice %arg7[%dma_wait3A_171, %dma_wait3A_181] : memref<2x16384xf32, #tpu.memory_space<vmem>> -> memref<1x16384xf32, #tpu.memory_space<vmem>>
        %dma_wait3A_183 = tpu.memref_squeeze %dma_wait3A_182 : memref<1x16384xf32, #tpu.memory_space<vmem>> -> memref<16384xf32, #tpu.memory_space<vmem>>
        tpu.wait_dma2 semaphore(%arg10 : memref<!tpu.dma_semaphore, #tpu.memory_space<semaphore_mem>>) src(%dma_wait3A_183 : memref<16384xf32, #tpu.memory_space<vmem>>) dst(%dma_wait3A_180 : memref<16384xf32, #tpu.memory_space<hbm>>)
      } else {
      }
      %broadcast_in_dim3A = arith.constant 0 : i32
      %broadcast_in_dim3A_94 = vector.broadcast %broadcast_in_dim3A : i32 to vector<16xi32>
      %scan3A_95 = arith.constant 0 : i32
      %scan3A_96 = arith.constant 0 : i32
      %scan3A_97 = arith.constant 128 : i32
      %scan3A_98 = arith.addi %scan3A_96, %scan3A_97 : i32
      %scan3A_99 = arith.constant 1 : i32
      scf.for %scan3A_171 = %scan3A_96 to %scan3A_98 step %scan3A_99  : i32 {
        %mul3A_172 = arith.constant 128 : i32
        %mul3A_173 = arith.muli %scan3A_171, %mul3A_172 : i32
        %add3A_174 = arith.constant 0 : i32
        %add3A_175 = arith.addi %mul3A_173, %add3A_174 : i32
        %get3A = arith.index_cast %add3A_175 : i32 to index
        %get3A_176 = tpu.vector_load %arg5[%get3A] {strides = array<i32>} : memref<16384xi32, #tpu.memory_space<vmem>>, vector<16xi32>,
        %gather3A = tpu.vector_load_idx %arg6[%broadcast_in_dim3A_94, %get3A_176] : memref<2x8256xf32, #tpu.memory_space<vmem>>[vector<16xi32>, vector<16xi32>], vector<16xf32>,
        %swap3A = arith.constant 0 : i32
        %swap3A_177 = arith.index_cast %swap3A : i32 to index
        %swap3A_178 = arith.index_cast %add3A_175 : i32 to index
        %swap3A_179 = tpu.vector_load %arg7[%swap3A_177, %swap3A_178] {strides = array<i32>} : memref<2x16384xf32, #tpu.memory_space<vmem>>, vector<16xf32>,
        tpu.vector_store %arg7[%swap3A_177, %swap3A_178], %gather3A {strides = array<i32>} : memref<2x16384xf32, #tpu.memory_space<vmem>>, vector<16xf32>,
        %add3A_180 = arith.constant 16 : i32
        %add3A_181 = arith.addi %mul3A_173, %add3A_180 : i32
        %get3A_182 = arith.index_cast %add3A_181 : i32 to index
        %get3A_183 = tpu.vector_load %arg5[%get3A_182] {strides = array<i32>} : memref<16384xi32, #tpu.memory_space<vmem>>, vector<16xi32>,
        %gather3A_184 = tpu.vector_load_idx %arg6[%broadcast_in_dim3A_94, %get3A_183] : memref<2x8256xf32, #tpu.memory_space<vmem>>[vector<16xi32>, vector<16xi32>], vector<16xf32>,
        %swap3A_185 = arith.constant 0 : i32
        %swap3A_186 = arith.index_cast %swap3A_185 : i32 to index
        %swap3A_187 = arith.index_cast %add3A_181 : i32 to index
        %swap3A_188 = tpu.vector_load %arg7[%swap3A_186, %swap3A_187] {strides = array<i32>} : memref<2x16384xf32, #tpu.memory_space<vmem>>, vector<16xf32>,
        tpu.vector_store %arg7[%swap3A_186, %swap3A_187], %gather3A_184 {strides = array<i32>} : memref<2x16384xf32, #tpu.memory_space<vmem>>, vector<16xf32>,
        %add3A_189 = arith.constant 32 : i32
        %add3A_190 = arith.addi %mul3A_173, %add3A_189 : i32
        %get3A_191 = arith.index_cast %add3A_190 : i32 to index
        %get3A_192 = tpu.vector_load %arg5[%get3A_191] {strides = array<i32>} : memref<16384xi32, #tpu.memory_space<vmem>>, vector<16xi32>,
        %gather3A_193 = tpu.vector_load_idx %arg6[%broadcast_in_dim3A_94, %get3A_192] : memref<2x8256xf32, #tpu.memory_space<vmem>>[vector<16xi32>, vector<16xi32>], vector<16xf32>,
        %swap3A_194 = arith.constant 0 : i32
        %swap3A_195 = arith.index_cast %swap3A_194 : i32 to index
        %swap3A_196 = arith.index_cast %add3A_190 : i32 to index
        %swap3A_197 = tpu.vector_load %arg7[%swap3A_195, %swap3A_196] {strides = array<i32>} : memref<2x16384xf32, #tpu.memory_space<vmem>>, vector<16xf32>,
        tpu.vector_store %arg7[%swap3A_195, %swap3A_196], %gather3A_193 {strides = array<i32>} : memref<2x16384xf32, #tpu.memory_space<vmem>>, vector<16xf32>,
        %add3A_198 = arith.constant 48 : i32
        %add3A_199 = arith.addi %mul3A_173, %add3A_198 : i32
        %get3A_200 = arith.index_cast %add3A_199 : i32 to index
        %get3A_201 = tpu.vector_load %arg5[%get3A_200] {strides = array<i32>} : memref<16384xi32, #tpu.memory_space<vmem>>, vector<16xi32>,
        %gather3A_202 = tpu.vector_load_idx %arg6[%broadcast_in_dim3A_94, %get3A_201] : memref<2x8256xf32, #tpu.memory_space<vmem>>[vector<16xi32>, vector<16xi32>], vector<16xf32>,
        %swap3A_203 = arith.constant 0 : i32
        %swap3A_204 = arith.index_cast %swap3A_203 : i32 to index
        %swap3A_205 = arith.index_cast %add3A_199 : i32 to index
        %swap3A_206 = tpu.vector_load %arg7[%swap3A_204, %swap3A_205] {strides = array<i32>} : memref<2x16384xf32, #tpu.memory_space<vmem>>, vector<16xf32>,
        tpu.vector_store %arg7[%swap3A_204, %swap3A_205], %gather3A_202 {strides = array<i32>} : memref<2x16384xf32, #tpu.memory_space<vmem>>, vector<16xf32>,
        %add3A_207 = arith.constant 64 : i32
        %add3A_208 = arith.addi %mul3A_173, %add3A_207 : i32
        %get3A_209 = arith.index_cast %add3A_208 : i32 to index
        %get3A_210 = tpu.vector_load %arg5[%get3A_209] {strides = array<i32>} : memref<16384xi32, #tpu.memory_space<vmem>>, vector<16xi32>,
        %gather3A_211 = tpu.vector_load_idx %arg6[%broadcast_in_dim3A_94, %get3A_210] : memref<2x8256xf32, #tpu.memory_space<vmem>>[vector<16xi32>, vector<16xi32>], vector<16xf32>,
        %swap3A_212 = arith.constant 0 : i32
        %swap3A_213 = arith.index_cast %swap3A_212 : i32 to index
        %swap3A_214 = arith.index_cast %add3A_208 : i32 to index
        %swap3A_215 = tpu.vector_load %arg7[%swap3A_213, %swap3A_214] {strides = array<i32>} : memref<2x16384xf32, #tpu.memory_space<vmem>>, vector<16xf32>,
        tpu.vector_store %arg7[%swap3A_213, %swap3A_214], %gather3A_211 {strides = array<i32>} : memref<2x16384xf32, #tpu.memory_space<vmem>>, vector<16xf32>,
        %add3A_216 = arith.constant 80 : i32
        %add3A_217 = arith.addi %mul3A_173, %add3A_216 : i32
        %get3A_218 = arith.index_cast %add3A_217 : i32 to index
        %get3A_219 = tpu.vector_load %arg5[%get3A_218] {strides = array<i32>} : memref<16384xi32, #tpu.memory_space<vmem>>, vector<16xi32>,
        %gather3A_220 = tpu.vector_load_idx %arg6[%broadcast_in_dim3A_94, %get3A_219] : memref<2x8256xf32, #tpu.memory_space<vmem>>[vector<16xi32>, vector<16xi32>], vector<16xf32>,
        %swap3A_221 = arith.constant 0 : i32
        %swap3A_222 = arith.index_cast %swap3A_221 : i32 to index
        %swap3A_223 = arith.index_cast %add3A_217 : i32 to index
        %swap3A_224 = tpu.vector_load %arg7[%swap3A_222, %swap3A_223] {strides = array<i32>} : memref<2x16384xf32, #tpu.memory_space<vmem>>, vector<16xf32>,
        tpu.vector_store %arg7[%swap3A_222, %swap3A_223], %gather3A_220 {strides = array<i32>} : memref<2x16384xf32, #tpu.memory_space<vmem>>, vector<16xf32>,
        %add3A_225 = arith.constant 96 : i32
        %add3A_226 = arith.addi %mul3A_173, %add3A_225 : i32
        %get3A_227 = arith.index_cast %add3A_226 : i32 to index
        %get3A_228 = tpu.vector_load %arg5[%get3A_227] {strides = array<i32>} : memref<16384xi32, #tpu.memory_space<vmem>>, vector<16xi32>,
        %gather3A_229 = tpu.vector_load_idx %arg6[%broadcast_in_dim3A_94, %get3A_228] : memref<2x8256xf32, #tpu.memory_space<vmem>>[vector<16xi32>, vector<16xi32>], vector<16xf32>,
        %swap3A_230 = arith.constant 0 : i32
        %swap3A_231 = arith.index_cast %swap3A_230 : i32 to index
        %swap3A_232 = arith.index_cast %add3A_226 : i32 to index
        %swap3A_233 = tpu.vector_load %arg7[%swap3A_231, %swap3A_232] {strides = array<i32>} : memref<2x16384xf32, #tpu.memory_space<vmem>>, vector<16xf32>,
        tpu.vector_store %arg7[%swap3A_231, %swap3A_232], %gather3A_229 {strides = array<i32>} : memref<2x16384xf32, #tpu.memory_space<vmem>>, vector<16xf32>,
        %add3A_234 = arith.constant 112 : i32
        %add3A_235 = arith.addi %mul3A_173, %add3A_234 : i32
        %get3A_236 = arith.index_cast %add3A_235 : i32 to index
        %get3A_237 = tpu.vector_load %arg5[%get3A_236] {strides = array<i32>} : memref<16384xi32, #tpu.memory_space<vmem>>, vector<16xi32>,
        %gather3A_238 = tpu.vector_load_idx %arg6[%broadcast_in_dim3A_94, %get3A_237] : memref<2x8256xf32, #tpu.memory_space<vmem>>[vector<16xi32>, vector<16xi32>], vector<16xf32>,
        %swap3A_239 = arith.constant 0 : i32
        %swap3A_240 = arith.index_cast %swap3A_239 : i32 to index
        %swap3A_241 = arith.index_cast %add3A_235 : i32 to index
        %swap3A_242 = tpu.vector_load %arg7[%swap3A_240, %swap3A_241] {strides = array<i32>} : memref<2x16384xf32, #tpu.memory_space<vmem>>, vector<16xf32>,
        tpu.vector_store %arg7[%swap3A_240, %swap3A_241], %gather3A_238 {strides = array<i32>} : memref<2x16384xf32, #tpu.memory_space<vmem>>, vector<16xf32>,
      }
      %scan3A_100 = arith.constant 128 : i32
      %dma_start3A_101 = arith.constant 0 : i32
      %dma_start3A_102 = arith.constant 0 : i32
      %dma_start3A_103 = tpu.memref_slice %arg7[%dma_start3A_101, %dma_start3A_102] : memref<2x16384xf32, #tpu.memory_space<vmem>> -> memref<1x16384xf32, #tpu.memory_space<vmem>>
      %dma_start3A_104 = tpu.memref_squeeze %dma_start3A_103 : memref<1x16384xf32, #tpu.memory_space<vmem>> -> memref<16384xf32, #tpu.memory_space<vmem>>
      %dma_start3A_105 = arith.constant 0 : i32
      %dma_start3A_106 = tpu.memref_slice %arg4[%add3A_78, %dma_start3A_105] : memref<1024x16384xf32, #tpu.memory_space<hbm>> -> memref<1x16384xf32, #tpu.memory_space<hbm>>
      %dma_start3A_107 = tpu.memref_squeeze %dma_start3A_106 : memref<1x16384xf32, #tpu.memory_space<hbm>> -> memref<16384xf32, #tpu.memory_space<hbm>>
      %dma_start3A_108 = arith.constant 0 : i32
      %dma_start3A_109 = tpu.memref_slice %arg4[%add3A_78, %dma_start3A_108] : memref<1024x16384xf32, #tpu.memory_space<hbm>> -> memref<1x16384xf32, #tpu.memory_space<hbm>>
      %dma_start3A_110 = tpu.memref_squeeze %dma_start3A_109 : memref<1x16384xf32, #tpu.memory_space<hbm>> -> memref<16384xf32, #tpu.memory_space<hbm>>
      %dma_start3A_111 = arith.constant 0 : i32
      %dma_start3A_112 = tpu.memref_slice %arg7[%dma_start3A_101, %dma_start3A_111] : memref<2x16384xf32, #tpu.memory_space<vmem>> -> memref<1x16384xf32, #tpu.memory_space<vmem>>
      %dma_start3A_113 = tpu.memref_squeeze %dma_start3A_112 : memref<1x16384xf32, #tpu.memory_space<vmem>> -> memref<16384xf32, #tpu.memory_space<vmem>>
      tpu.enqueue_dma source(%dma_start3A_113 : memref<16384xf32, #tpu.memory_space<vmem>>) target(%dma_start3A_110 : memref<16384xf32, #tpu.memory_space<hbm>>) target_semaphore(%arg10 : memref<!tpu.dma_semaphore, #tpu.memory_space<semaphore_mem>>)
      %add3A_114 = arith.constant 2 : i32
      %add3A_115 = arith.addi %add3A_77, %add3A_114 : i32
      %lt3A = arith.constant 32 : i32
      %lt3A_116 = arith.cmpi slt, %add3A_115, %lt3A : i32
      %convert_element_type3A_117 = arith.extui %lt3A_116 : i1 to i32
      %cond3A_118 = arith.constant 0 : i32
      %cond3A_119 = arith.cmpi ne, %convert_element_type3A_117, %cond3A_118 : i32
      scf.if %cond3A_119 {
        %add3A_171 = arith.constant 2 : i32
        %add3A_172 = arith.addi %add3A_78, %add3A_171 : i32
        %dma_start3A_173 = arith.constant 0 : i32
        %dma_start3A_174 = arith.constant 0 : i32
        %dma_start3A_175 = tpu.memref_slice %arg6[%dma_start3A_173, %dma_start3A_174] : memref<2x8256xf32, #tpu.memory_space<vmem>> -> memref<1x8256xf32, #tpu.memory_space<vmem>>
        %dma_start3A_176 = tpu.memref_squeeze %dma_start3A_175 : memref<1x8256xf32, #tpu.memory_space<vmem>> -> memref<8256xf32, #tpu.memory_space<vmem>>
        %dma_start3A_177 = arith.constant 0 : i32
        %dma_start3A_178 = tpu.memref_slice %arg2[%add3A_172, %dma_start3A_177] : memref<1024x8256xf32, #tpu.memory_space<hbm>> -> memref<1x8256xf32, #tpu.memory_space<hbm>>
        %dma_start3A_179 = tpu.memref_squeeze %dma_start3A_178 : memref<1x8256xf32, #tpu.memory_space<hbm>> -> memref<8256xf32, #tpu.memory_space<hbm>>
        %dma_start3A_180 = arith.constant 0 : i32
        %dma_start3A_181 = tpu.memref_slice %arg6[%dma_start3A_173, %dma_start3A_180] : memref<2x8256xf32, #tpu.memory_space<vmem>> -> memref<1x8256xf32, #tpu.memory_space<vmem>>
        %dma_start3A_182 = tpu.memref_squeeze %dma_start3A_181 : memref<1x8256xf32, #tpu.memory_space<vmem>> -> memref<8256xf32, #tpu.memory_space<vmem>>
        %dma_start3A_183 = arith.constant 0 : i32
        %dma_start3A_184 = tpu.memref_slice %arg2[%add3A_172, %dma_start3A_183] : memref<1024x8256xf32, #tpu.memory_space<hbm>> -> memref<1x8256xf32, #tpu.memory_space<hbm>>
        %dma_start3A_185 = tpu.memref_squeeze %dma_start3A_184 : memref<1x8256xf32, #tpu.memory_space<hbm>> -> memref<8256xf32, #tpu.memory_space<hbm>>
        tpu.enqueue_dma source(%dma_start3A_185 : memref<8256xf32, #tpu.memory_space<hbm>>) target(%dma_start3A_182 : memref<8256xf32, #tpu.memory_space<vmem>>) target_semaphore(%arg8 : memref<!tpu.dma_semaphore, #tpu.memory_space<semaphore_mem>>)
      } else {
      }
      %mul3A_120 = arith.constant 2 : i32
      %mul3A_121 = arith.muli %scan3A_73, %mul3A_120 : i32
      %add3A_122 = arith.constant 1 : i32
      %add3A_123 = arith.addi %mul3A_121, %add3A_122 : i32
      %add3A_124 = arith.addi %mul3A_2, %add3A_123 : i32
      %dma_wait3A_125 = arith.constant 1 : i32
      %dma_wait3A_126 = arith.constant 0 : i32
      %dma_wait3A_127 = tpu.memref_slice %arg6[%dma_wait3A_125, %dma_wait3A_126] : memref<2x8256xf32, #tpu.memory_space<vmem>> -> memref<1x8256xf32, #tpu.memory_space<vmem>>
      %dma_wait3A_128 = tpu.memref_squeeze %dma_wait3A_127 : memref<1x8256xf32, #tpu.memory_space<vmem>> -> memref<8256xf32, #tpu.memory_space<vmem>>
      %dma_wait3A_129 = arith.constant 0 : i32
      %dma_wait3A_130 = tpu.memref_slice %arg2[%add3A_124, %dma_wait3A_129] : memref<1024x8256xf32, #tpu.memory_space<hbm>> -> memref<1x8256xf32, #tpu.memory_space<hbm>>
      %dma_wait3A_131 = tpu.memref_squeeze %dma_wait3A_130 : memref<1x8256xf32, #tpu.memory_space<hbm>> -> memref<8256xf32, #tpu.memory_space<hbm>>
      %dma_wait3A_132 = arith.constant 0 : i32
      %dma_wait3A_133 = tpu.memref_slice %arg6[%dma_wait3A_125, %dma_wait3A_132] : memref<2x8256xf32, #tpu.memory_space<vmem>> -> memref<1x8256xf32, #tpu.memory_space<vmem>>
      %dma_wait3A_134 = tpu.memref_squeeze %dma_wait3A_133 : memref<1x8256xf32, #tpu.memory_space<vmem>> -> memref<8256xf32, #tpu.memory_space<vmem>>
      %dma_wait3A_135 = arith.constant 0 : i32
      %dma_wait3A_136 = tpu.memref_slice %arg2[%add3A_124, %dma_wait3A_135] : memref<1024x8256xf32, #tpu.memory_space<hbm>> -> memref<1x8256xf32, #tpu.memory_space<hbm>>
      %dma_wait3A_137 = tpu.memref_squeeze %dma_wait3A_136 : memref<1x8256xf32, #tpu.memory_space<hbm>> -> memref<8256xf32, #tpu.memory_space<hbm>>
      tpu.wait_dma2 semaphore(%arg9 : memref<!tpu.dma_semaphore, #tpu.memory_space<semaphore_mem>>) src(%dma_wait3A_137 : memref<8256xf32, #tpu.memory_space<hbm>>) dst(%dma_wait3A_134 : memref<8256xf32, #tpu.memory_space<vmem>>)
      %gt3A_138 = arith.constant 0 : i32
      %gt3A_139 = arith.cmpi sgt, %scan3A_73, %gt3A_138 : i32
      %convert_element_type3A_140 = arith.extui %gt3A_139 : i1 to i32
      %cond3A_141 = arith.constant 0 : i32
      %cond3A_142 = arith.cmpi ne, %convert_element_type3A_140, %cond3A_141 : i32
      scf.if %cond3A_142 {
        %dma_wait3A_171 = arith.constant 1 : i32
        %dma_wait3A_172 = arith.constant 0 : i32
        %dma_wait3A_173 = tpu.memref_slice %arg7[%dma_wait3A_171, %dma_wait3A_172] : memref<2x16384xf32, #tpu.memory_space<vmem>> -> memref<1x16384xf32, #tpu.memory_space<vmem>>
        %dma_wait3A_174 = tpu.memref_squeeze %dma_wait3A_173 : memref<1x16384xf32, #tpu.memory_space<vmem>> -> memref<16384xf32, #tpu.memory_space<vmem>>
        %dma_wait3A_175 = arith.constant 0 : i32
        %dma_wait3A_176 = tpu.memref_slice %arg4[%add3A_124, %dma_wait3A_175] : memref<1024x16384xf32, #tpu.memory_space<hbm>> -> memref<1x16384xf32, #tpu.memory_space<hbm>>
        %dma_wait3A_177 = tpu.memref_squeeze %dma_wait3A_176 : memref<1x16384xf32, #tpu.memory_space<hbm>> -> memref<16384xf32, #tpu.memory_space<hbm>>
        %dma_wait3A_178 = arith.constant 0 : i32
        %dma_wait3A_179 = tpu.memref_slice %arg4[%add3A_124, %dma_wait3A_178] : memref<1024x16384xf32, #tpu.memory_space<hbm>> -> memref<1x16384xf32, #tpu.memory_space<hbm>>
        %dma_wait3A_180 = tpu.memref_squeeze %dma_wait3A_179 : memref<1x16384xf32, #tpu.memory_space<hbm>> -> memref<16384xf32, #tpu.memory_space<hbm>>
        %dma_wait3A_181 = arith.constant 0 : i32
        %dma_wait3A_182 = tpu.memref_slice %arg7[%dma_wait3A_171, %dma_wait3A_181] : memref<2x16384xf32, #tpu.memory_space<vmem>> -> memref<1x16384xf32, #tpu.memory_space<vmem>>
        %dma_wait3A_183 = tpu.memref_squeeze %dma_wait3A_182 : memref<1x16384xf32, #tpu.memory_space<vmem>> -> memref<16384xf32, #tpu.memory_space<vmem>>
        tpu.wait_dma2 semaphore(%arg11 : memref<!tpu.dma_semaphore, #tpu.memory_space<semaphore_mem>>) src(%dma_wait3A_183 : memref<16384xf32, #tpu.memory_space<vmem>>) dst(%dma_wait3A_180 : memref<16384xf32, #tpu.memory_space<hbm>>)
      } else {
      }
      %broadcast_in_dim3A_143 = arith.constant 1 : i32
      %broadcast_in_dim3A_144 = vector.broadcast %broadcast_in_dim3A_143 : i32 to vector<16xi32>
      %scan3A_145 = arith.constant 0 : i32
      %scan3A_146 = arith.constant 0 : i32
      %scan3A_147 = arith.constant 128 : i32
      %scan3A_148 = arith.addi %scan3A_146, %scan3A_147 : i32
      %scan3A_149 = arith.constant 1 : i32
      scf.for %scan3A_171 = %scan3A_146 to %scan3A_148 step %scan3A_149  : i32 {
        %mul3A_172 = arith.constant 128 : i32
        %mul3A_173 = arith.muli %scan3A_171, %mul3A_172 : i32
        %add3A_174 = arith.constant 0 : i32
        %add3A_175 = arith.addi %mul3A_173, %add3A_174 : i32
        %get3A = arith.index_cast %add3A_175 : i32 to index
        %get3A_176 = tpu.vector_load %arg5[%get3A] {strides = array<i32>} : memref<16384xi32, #tpu.memory_space<vmem>>, vector<16xi32>,
        %gather3A = tpu.vector_load_idx %arg6[%broadcast_in_dim3A_144, %get3A_176] : memref<2x8256xf32, #tpu.memory_space<vmem>>[vector<16xi32>, vector<16xi32>], vector<16xf32>,
        %swap3A = arith.constant 1 : i32
        %swap3A_177 = arith.index_cast %swap3A : i32 to index
        %swap3A_178 = arith.index_cast %add3A_175 : i32 to index
        %swap3A_179 = tpu.vector_load %arg7[%swap3A_177, %swap3A_178] {strides = array<i32>} : memref<2x16384xf32, #tpu.memory_space<vmem>>, vector<16xf32>,
        tpu.vector_store %arg7[%swap3A_177, %swap3A_178], %gather3A {strides = array<i32>} : memref<2x16384xf32, #tpu.memory_space<vmem>>, vector<16xf32>,
        %add3A_180 = arith.constant 16 : i32
        %add3A_181 = arith.addi %mul3A_173, %add3A_180 : i32
        %get3A_182 = arith.index_cast %add3A_181 : i32 to index
        %get3A_183 = tpu.vector_load %arg5[%get3A_182] {strides = array<i32>} : memref<16384xi32, #tpu.memory_space<vmem>>, vector<16xi32>,
        %gather3A_184 = tpu.vector_load_idx %arg6[%broadcast_in_dim3A_144, %get3A_183] : memref<2x8256xf32, #tpu.memory_space<vmem>>[vector<16xi32>, vector<16xi32>], vector<16xf32>,
        %swap3A_185 = arith.constant 1 : i32
        %swap3A_186 = arith.index_cast %swap3A_185 : i32 to index
        %swap3A_187 = arith.index_cast %add3A_181 : i32 to index
        %swap3A_188 = tpu.vector_load %arg7[%swap3A_186, %swap3A_187] {strides = array<i32>} : memref<2x16384xf32, #tpu.memory_space<vmem>>, vector<16xf32>,
        tpu.vector_store %arg7[%swap3A_186, %swap3A_187], %gather3A_184 {strides = array<i32>} : memref<2x16384xf32, #tpu.memory_space<vmem>>, vector<16xf32>,
        %add3A_189 = arith.constant 32 : i32
        %add3A_190 = arith.addi %mul3A_173, %add3A_189 : i32
        %get3A_191 = arith.index_cast %add3A_190 : i32 to index
        %get3A_192 = tpu.vector_load %arg5[%get3A_191] {strides = array<i32>} : memref<16384xi32, #tpu.memory_space<vmem>>, vector<16xi32>,
        %gather3A_193 = tpu.vector_load_idx %arg6[%broadcast_in_dim3A_144, %get3A_192] : memref<2x8256xf32, #tpu.memory_space<vmem>>[vector<16xi32>, vector<16xi32>], vector<16xf32>,
        %swap3A_194 = arith.constant 1 : i32
        %swap3A_195 = arith.index_cast %swap3A_194 : i32 to index
        %swap3A_196 = arith.index_cast %add3A_190 : i32 to index
        %swap3A_197 = tpu.vector_load %arg7[%swap3A_195, %swap3A_196] {strides = array<i32>} : memref<2x16384xf32, #tpu.memory_space<vmem>>, vector<16xf32>,
        tpu.vector_store %arg7[%swap3A_195, %swap3A_196], %gather3A_193 {strides = array<i32>} : memref<2x16384xf32, #tpu.memory_space<vmem>>, vector<16xf32>,
        %add3A_198 = arith.constant 48 : i32
        %add3A_199 = arith.addi %mul3A_173, %add3A_198 : i32
        %get3A_200 = arith.index_cast %add3A_199 : i32 to index
        %get3A_201 = tpu.vector_load %arg5[%get3A_200] {strides = array<i32>} : memref<16384xi32, #tpu.memory_space<vmem>>, vector<16xi32>,
        %gather3A_202 = tpu.vector_load_idx %arg6[%broadcast_in_dim3A_144, %get3A_201] : memref<2x8256xf32, #tpu.memory_space<vmem>>[vector<16xi32>, vector<16xi32>], vector<16xf32>,
        %swap3A_203 = arith.constant 1 : i32
        %swap3A_204 = arith.index_cast %swap3A_203 : i32 to index
        %swap3A_205 = arith.index_cast %add3A_199 : i32 to index
        %swap3A_206 = tpu.vector_load %arg7[%swap3A_204, %swap3A_205] {strides = array<i32>} : memref<2x16384xf32, #tpu.memory_space<vmem>>, vector<16xf32>,
        tpu.vector_store %arg7[%swap3A_204, %swap3A_205], %gather3A_202 {strides = array<i32>} : memref<2x16384xf32, #tpu.memory_space<vmem>>, vector<16xf32>,
        %add3A_207 = arith.constant 64 : i32
        %add3A_208 = arith.addi %mul3A_173, %add3A_207 : i32
        %get3A_209 = arith.index_cast %add3A_208 : i32 to index
        %get3A_210 = tpu.vector_load %arg5[%get3A_209] {strides = array<i32>} : memref<16384xi32, #tpu.memory_space<vmem>>, vector<16xi32>,
        %gather3A_211 = tpu.vector_load_idx %arg6[%broadcast_in_dim3A_144, %get3A_210] : memref<2x8256xf32, #tpu.memory_space<vmem>>[vector<16xi32>, vector<16xi32>], vector<16xf32>,
        %swap3A_212 = arith.constant 1 : i32
        %swap3A_213 = arith.index_cast %swap3A_212 : i32 to index
        %swap3A_214 = arith.index_cast %add3A_208 : i32 to index
        %swap3A_215 = tpu.vector_load %arg7[%swap3A_213, %swap3A_214] {strides = array<i32>} : memref<2x16384xf32, #tpu.memory_space<vmem>>, vector<16xf32>,
        tpu.vector_store %arg7[%swap3A_213, %swap3A_214], %gather3A_211 {strides = array<i32>} : memref<2x16384xf32, #tpu.memory_space<vmem>>, vector<16xf32>,
        %add3A_216 = arith.constant 80 : i32
        %add3A_217 = arith.addi %mul3A_173, %add3A_216 : i32
        %get3A_218 = arith.index_cast %add3A_217 : i32 to index
        %get3A_219 = tpu.vector_load %arg5[%get3A_218] {strides = array<i32>} : memref<16384xi32, #tpu.memory_space<vmem>>, vector<16xi32>,
        %gather3A_220 = tpu.vector_load_idx %arg6[%broadcast_in_dim3A_144, %get3A_219] : memref<2x8256xf32, #tpu.memory_space<vmem>>[vector<16xi32>, vector<16xi32>], vector<16xf32>,
        %swap3A_221 = arith.constant 1 : i32
        %swap3A_222 = arith.index_cast %swap3A_221 : i32 to index
        %swap3A_223 = arith.index_cast %add3A_217 : i32 to index
        %swap3A_224 = tpu.vector_load %arg7[%swap3A_222, %swap3A_223] {strides = array<i32>} : memref<2x16384xf32, #tpu.memory_space<vmem>>, vector<16xf32>,
        tpu.vector_store %arg7[%swap3A_222, %swap3A_223], %gather3A_220 {strides = array<i32>} : memref<2x16384xf32, #tpu.memory_space<vmem>>, vector<16xf32>,
        %add3A_225 = arith.constant 96 : i32
        %add3A_226 = arith.addi %mul3A_173, %add3A_225 : i32
        %get3A_227 = arith.index_cast %add3A_226 : i32 to index
        %get3A_228 = tpu.vector_load %arg5[%get3A_227] {strides = array<i32>} : memref<16384xi32, #tpu.memory_space<vmem>>, vector<16xi32>,
        %gather3A_229 = tpu.vector_load_idx %arg6[%broadcast_in_dim3A_144, %get3A_228] : memref<2x8256xf32, #tpu.memory_space<vmem>>[vector<16xi32>, vector<16xi32>], vector<16xf32>,
        %swap3A_230 = arith.constant 1 : i32
        %swap3A_231 = arith.index_cast %swap3A_230 : i32 to index
        %swap3A_232 = arith.index_cast %add3A_226 : i32 to index
        %swap3A_233 = tpu.vector_load %arg7[%swap3A_231, %swap3A_232] {strides = array<i32>} : memref<2x16384xf32, #tpu.memory_space<vmem>>, vector<16xf32>,
        tpu.vector_store %arg7[%swap3A_231, %swap3A_232], %gather3A_229 {strides = array<i32>} : memref<2x16384xf32, #tpu.memory_space<vmem>>, vector<16xf32>,
        %add3A_234 = arith.constant 112 : i32
        %add3A_235 = arith.addi %mul3A_173, %add3A_234 : i32
        %get3A_236 = arith.index_cast %add3A_235 : i32 to index
        %get3A_237 = tpu.vector_load %arg5[%get3A_236] {strides = array<i32>} : memref<16384xi32, #tpu.memory_space<vmem>>, vector<16xi32>,
        %gather3A_238 = tpu.vector_load_idx %arg6[%broadcast_in_dim3A_144, %get3A_237] : memref<2x8256xf32, #tpu.memory_space<vmem>>[vector<16xi32>, vector<16xi32>], vector<16xf32>,
        %swap3A_239 = arith.constant 1 : i32
        %swap3A_240 = arith.index_cast %swap3A_239 : i32 to index
        %swap3A_241 = arith.index_cast %add3A_235 : i32 to index
        %swap3A_242 = tpu.vector_load %arg7[%swap3A_240, %swap3A_241] {strides = array<i32>} : memref<2x16384xf32, #tpu.memory_space<vmem>>, vector<16xf32>,
        tpu.vector_store %arg7[%swap3A_240, %swap3A_241], %gather3A_238 {strides = array<i32>} : memref<2x16384xf32, #tpu.memory_space<vmem>>, vector<16xf32>,
      }
      %scan3A_150 = arith.constant 128 : i32
      %dma_start3A_151 = arith.constant 1 : i32
      %dma_start3A_152 = arith.constant 0 : i32
      %dma_start3A_153 = tpu.memref_slice %arg7[%dma_start3A_151, %dma_start3A_152] : memref<2x16384xf32, #tpu.memory_space<vmem>> -> memref<1x16384xf32, #tpu.memory_space<vmem>>
      %dma_start3A_154 = tpu.memref_squeeze %dma_start3A_153 : memref<1x16384xf32, #tpu.memory_space<vmem>> -> memref<16384xf32, #tpu.memory_space<vmem>>
      %dma_start3A_155 = arith.constant 0 : i32
      %dma_start3A_156 = tpu.memref_slice %arg4[%add3A_124, %dma_start3A_155] : memref<1024x16384xf32, #tpu.memory_space<hbm>> -> memref<1x16384xf32, #tpu.memory_space<hbm>>
      %dma_start3A_157 = tpu.memref_squeeze %dma_start3A_156 : memref<1x16384xf32, #tpu.memory_space<hbm>> -> memref<16384xf32, #tpu.memory_space<hbm>>
      %dma_start3A_158 = arith.constant 0 : i32
      %dma_start3A_159 = tpu.memref_slice %arg4[%add3A_124, %dma_start3A_158] : memref<1024x16384xf32, #tpu.memory_space<hbm>> -> memref<1x16384xf32, #tpu.memory_space<hbm>>
      %dma_start3A_160 = tpu.memref_squeeze %dma_start3A_159 : memref<1x16384xf32, #tpu.memory_space<hbm>> -> memref<16384xf32, #tpu.memory_space<hbm>>
      %dma_start3A_161 = arith.constant 0 : i32
      %dma_start3A_162 = tpu.memref_slice %arg7[%dma_start3A_151, %dma_start3A_161] : memref<2x16384xf32, #tpu.memory_space<vmem>> -> memref<1x16384xf32, #tpu.memory_space<vmem>>
      %dma_start3A_163 = tpu.memref_squeeze %dma_start3A_162 : memref<1x16384xf32, #tpu.memory_space<vmem>> -> memref<16384xf32, #tpu.memory_space<vmem>>
      tpu.enqueue_dma source(%dma_start3A_163 : memref<16384xf32, #tpu.memory_space<vmem>>) target(%dma_start3A_160 : memref<16384xf32, #tpu.memory_space<hbm>>) target_semaphore(%arg11 : memref<!tpu.dma_semaphore, #tpu.memory_space<semaphore_mem>>)
      %add3A_164 = arith.constant 2 : i32
      %add3A_165 = arith.addi %add3A_123, %add3A_164 : i32
      %lt3A_166 = arith.constant 32 : i32
      %lt3A_167 = arith.cmpi slt, %add3A_165, %lt3A_166 : i32
      %convert_element_type3A_168 = arith.extui %lt3A_167 : i1 to i32
      %cond3A_169 = arith.constant 0 : i32
      %cond3A_170 = arith.cmpi ne, %convert_element_type3A_168, %cond3A_169 : i32
      scf.if %cond3A_170 {
        %add3A_171 = arith.constant 2 : i32
        %add3A_172 = arith.addi %add3A_124, %add3A_171 : i32
        %dma_start3A_173 = arith.constant 1 : i32
        %dma_start3A_174 = arith.constant 0 : i32
        %dma_start3A_175 = tpu.memref_slice %arg6[%dma_start3A_173, %dma_start3A_174] : memref<2x8256xf32, #tpu.memory_space<vmem>> -> memref<1x8256xf32, #tpu.memory_space<vmem>>
        %dma_start3A_176 = tpu.memref_squeeze %dma_start3A_175 : memref<1x8256xf32, #tpu.memory_space<vmem>> -> memref<8256xf32, #tpu.memory_space<vmem>>
        %dma_start3A_177 = arith.constant 0 : i32
        %dma_start3A_178 = tpu.memref_slice %arg2[%add3A_172, %dma_start3A_177] : memref<1024x8256xf32, #tpu.memory_space<hbm>> -> memref<1x8256xf32, #tpu.memory_space<hbm>>
        %dma_start3A_179 = tpu.memref_squeeze %dma_start3A_178 : memref<1x8256xf32, #tpu.memory_space<hbm>> -> memref<8256xf32, #tpu.memory_space<hbm>>
        %dma_start3A_180 = arith.constant 0 : i32
        %dma_start3A_181 = tpu.memref_slice %arg6[%dma_start3A_173, %dma_start3A_180] : memref<2x8256xf32, #tpu.memory_space<vmem>> -> memref<1x8256xf32, #tpu.memory_space<vmem>>
        %dma_start3A_182 = tpu.memref_squeeze %dma_start3A_181 : memref<1x8256xf32, #tpu.memory_space<vmem>> -> memref<8256xf32, #tpu.memory_space<vmem>>
        %dma_start3A_183 = arith.constant 0 : i32
        %dma_start3A_184 = tpu.memref_slice %arg2[%add3A_172, %dma_start3A_183] : memref<1024x8256xf32, #tpu.memory_space<hbm>> -> memref<1x8256xf32, #tpu.memory_space<hbm>>
        %dma_start3A_185 = tpu.memref_squeeze %dma_start3A_184 : memref<1x8256xf32, #tpu.memory_space<hbm>> -> memref<8256xf32, #tpu.memory_space<hbm>>
        tpu.enqueue_dma source(%dma_start3A_185 : memref<8256xf32, #tpu.memory_space<hbm>>) target(%dma_start3A_182 : memref<8256xf32, #tpu.memory_space<vmem>>) target_semaphore(%arg9 : memref<!tpu.dma_semaphore, #tpu.memory_space<semaphore_mem>>)
      } else {
      }
    }
    %scan3A_36 = arith.constant 16 : i32
    %add3A_37 = arith.constant 32 : i32
    %add3A_38 = arith.addi %mul3A_2, %add3A_37 : i32
    %sub3A = arith.constant 2 : i32
    %sub3A_39 = arith.subi %add3A_38, %sub3A : i32
    %add3A_40 = arith.constant 0 : i32
    %add3A_41 = arith.addi %sub3A_39, %add3A_40 : i32
    %dma_wait3A = arith.constant 0 : i32
    %dma_wait3A_42 = arith.constant 0 : i32
    %dma_wait3A_43 = tpu.memref_slice %arg7[%dma_wait3A, %dma_wait3A_42] : memref<2x16384xf32, #tpu.memory_space<vmem>> -> memref<1x16384xf32, #tpu.memory_space<vmem>>
    %dma_wait3A_44 = tpu.memref_squeeze %dma_wait3A_43 : memref<1x16384xf32, #tpu.memory_space<vmem>> -> memref<16384xf32, #tpu.memory_space<vmem>>
    %dma_wait3A_45 = arith.constant 0 : i32
    %dma_wait3A_46 = tpu.memref_slice %arg4[%add3A_41, %dma_wait3A_45] : memref<1024x16384xf32, #tpu.memory_space<hbm>> -> memref<1x16384xf32, #tpu.memory_space<hbm>>
    %dma_wait3A_47 = tpu.memref_squeeze %dma_wait3A_46 : memref<1x16384xf32, #tpu.memory_space<hbm>> -> memref<16384xf32, #tpu.memory_space<hbm>>
    %dma_wait3A_48 = arith.constant 0 : i32
    %dma_wait3A_49 = tpu.memref_slice %arg4[%add3A_41, %dma_wait3A_48] : memref<1024x16384xf32, #tpu.memory_space<hbm>> -> memref<1x16384xf32, #tpu.memory_space<hbm>>
    %dma_wait3A_50 = tpu.memref_squeeze %dma_wait3A_49 : memref<1x16384xf32, #tpu.memory_space<hbm>> -> memref<16384xf32, #tpu.memory_space<hbm>>
    %dma_wait3A_51 = arith.constant 0 : i32
    %dma_wait3A_52 = tpu.memref_slice %arg7[%dma_wait3A, %dma_wait3A_51] : memref<2x16384xf32, #tpu.memory_space<vmem>> -> memref<1x16384xf32, #tpu.memory_space<vmem>>
    %dma_wait3A_53 = tpu.memref_squeeze %dma_wait3A_52 : memref<1x16384xf32, #tpu.memory_space<vmem>> -> memref<16384xf32, #tpu.memory_space<vmem>>
    tpu.wait_dma2 semaphore(%arg10 : memref<!tpu.dma_semaphore, #tpu.memory_space<semaphore_mem>>) src(%dma_wait3A_53 : memref<16384xf32, #tpu.memory_space<vmem>>) dst(%dma_wait3A_50 : memref<16384xf32, #tpu.memory_space<hbm>>)
    %add3A_54 = arith.constant 32 : i32
    %add3A_55 = arith.addi %mul3A_2, %add3A_54 : i32
    %sub3A_56 = arith.constant 2 : i32
    %sub3A_57 = arith.subi %add3A_55, %sub3A_56 : i32
    %add3A_58 = arith.constant 1 : i32
    %add3A_59 = arith.addi %sub3A_57, %add3A_58 : i32
    %dma_wait3A_60 = arith.constant 1 : i32
    %dma_wait3A_61 = arith.constant 0 : i32
    %dma_wait3A_62 = tpu.memref_slice %arg7[%dma_wait3A_60, %dma_wait3A_61] : memref<2x16384xf32, #tpu.memory_space<vmem>> -> memref<1x16384xf32, #tpu.memory_space<vmem>>
    %dma_wait3A_63 = tpu.memref_squeeze %dma_wait3A_62 : memref<1x16384xf32, #tpu.memory_space<vmem>> -> memref<16384xf32, #tpu.memory_space<vmem>>
    %dma_wait3A_64 = arith.constant 0 : i32
    %dma_wait3A_65 = tpu.memref_slice %arg4[%add3A_59, %dma_wait3A_64] : memref<1024x16384xf32, #tpu.memory_space<hbm>> -> memref<1x16384xf32, #tpu.memory_space<hbm>>
    %dma_wait3A_66 = tpu.memref_squeeze %dma_wait3A_65 : memref<1x16384xf32, #tpu.memory_space<hbm>> -> memref<16384xf32, #tpu.memory_space<hbm>>
    %dma_wait3A_67 = arith.constant 0 : i32
    %dma_wait3A_68 = tpu.memref_slice %arg4[%add3A_59, %dma_wait3A_67] : memref<1024x16384xf32, #tpu.memory_space<hbm>> -> memref<1x16384xf32, #tpu.memory_space<hbm>>
    %dma_wait3A_69 = tpu.memref_squeeze %dma_wait3A_68 : memref<1x16384xf32, #tpu.memory_space<hbm>> -> memref<16384xf32, #tpu.memory_space<hbm>>
    %dma_wait3A_70 = arith.constant 0 : i32
    %dma_wait3A_71 = tpu.memref_slice %arg7[%dma_wait3A_60, %dma_wait3A_70] : memref<2x16384xf32, #tpu.memory_space<vmem>> -> memref<1x16384xf32, #tpu.memory_space<vmem>>
    %dma_wait3A_72 = tpu.memref_squeeze %dma_wait3A_71 : memref<1x16384xf32, #tpu.memory_space<vmem>> -> memref<16384xf32, #tpu.memory_space<vmem>>
    tpu.wait_dma2 semaphore(%arg11 : memref<!tpu.dma_semaphore, #tpu.memory_space<semaphore_mem>>) src(%dma_wait3A_72 : memref<16384xf32, #tpu.memory_space<vmem>>) dst(%dma_wait3A_69 : memref<16384xf32, #tpu.memory_space<hbm>>)
    return
  }
}

</mosaic_0001>

<sc_bundles>
// kernel: kernel.3.cloned.1.call-start
scs
__scs_entry_jumppad:
0x0: {  	(pc) =	sbr.rel $0x88, $3  }
0x1: {  	(tag) =	ssettag $0x0;
	lr =	simm.s32 $0x1  }
0x2: {  	[smem:$0x3FA0] =	sst lr;
	_ =	strace $0xD0000000  }
0x3: {  	_ = 	snop  }
0x4: {  	_ = 	snop  }
0x5: {  	_ = 	snop  }
0x6: {  	_ = 	snop  }
0x7: {  	_ = 	snop  }
__scs_overlays_trampoline_lowered:
0x8: {  	[smem:$0x3FAF] =	sst s0  }
0x9: {  	[smem:$0x3FB0] =	sst s1  }
0xa: {  	[smem:$0x3FB1] =	sst s2  }
0xb: {  	[smem:$0x3FB2] =	sst s3  }
0xc: {  	[smem:$0x3FB3] =	sst s4  }
0xd: {  	[smem:$0x3FB4] =	sst s5  }
0xe: {  	[smem:$0x3FB5] =	sst s6  }
0xf: {  	[smem:$0x3FB6] =	sst s7  }
0x10: {  	[smem:$0x3FB7] =	sst s8  }
0x11: {  	[smem:$0x3FB8] =	sst s9;
	s0 =	simm.s32 @!p0 $0x0  }
0x12: {  	s1 =	sld [smem:$0x3F9E];
	s0 =	simm.s32 @p0 $0x1  }
0x13: {  	[smem:$0x3FB9] =	sst s0;
	s0 =	simm.s32 @!p1 $0x0  }
0x14: {  	s2 =	sld [smem:$0x3F9D];
	s0 =	simm.s32 @p1 $0x1  }
0x15: {  	[smem:$0x3FBA] =	sst s0;
	s0 =	simm.s32 @!p2 $0x0  }
0x16: {  	s3 =	sld [smem:$0x3FDB];
	s0 =	simm.s32 @p2 $0x1  }
0x17: {  	s4 =	simm.s32 $0x1BF5;
	[smem:$0x3FBC] =	sst s0  }
0x18: {  	s0 =	sld [smem:$0x3F9F];
	_ =	swait.ge [sflag:s4], $0x0  }
0x19: {  	s7 =	sld [smem:$0x3FA0]  }
0x1a: {  	s8 =	sadd.s32 $0xFFFFE003, lr  }
0x1b: {  	s9 =	sadd.s32 $0xFFFFFEF7, lr;
	s5 =	simm.s32 $0xFFFFFFFF;
	p2 =	slt.u32 s8, $0xFFFFF086  }
0x1c: {  	p1 =	slt.u32 s9, $0xF7A;
	s5 =	simm.s32 @!p2 $0x0  }
0x1d: {  	s5 =	simm.s32 @p1 $0x1;
	p0 =	seq.s32 s7, s2  }
0x1e: {  	s7 =	smul.u32 @!p0 $0xF7A, s2;
	p2 =	seq.s32 @!p0 s5, $0x0  }
0x1f: {  	s9 =	smul.u32 $0xF7A, s1;
	s8 =	simm.s32 @!p0 $0x1BF5;
	p2 =	por !p2, p0  }
0x20: {  	[sflag:s8] =	ssyncset.s32 @!p0 $0xFFFFF086;
	s6 =	sadd.s32 @!p0 s3, s7;
	s7 =	simm.s32 @!p0 $0x108  }
0x21: {  	s3 =	sadd.s32 s3, s9;
	s6 =	sadd.s32 @!p0 $0x88, s6;
	s7 =	simm.s32 @p2 $0x1082  }
0x22: {  	[simem:s7], [sflag:s8] =	dma.local @!p0 [hbm:s6], $0xF7A  }
0x23: {  	s9 =	sor.u32 $0xD0000000, s2;
	s6 =	simm.s32 $0x108;
	_ =	swait.ge @!p0 [sflag:s8], $0x0  }
0x24: {  	s3 =	sadd.s32 $0x88, s3;
	s6 =	simm.s32 @!p1 $0x1082;
	[sflag:s4] =	ssyncset.s32 $0xFFFFF086  }
0x25: {  	[simem:s6], [sflag:s4] =	dma.local [hbm:s3], $0xF7A  }
0x26: {  	[smem:$0x3FA0] =	sst s1;
	(tag) =	ssettag s2;
	_ =	strace s9  }
0x27: {  	s1 =	sld [smem:$0x3FB0]  }
0x28: {  	s2 =	sld [smem:$0x3FB1]  }
0x29: {  	s4 =	sld [smem:$0x3FB3]  }
0x2a: {  	p0 =	seq.s32 s5, $0x0;
	s5 =	sld [smem:$0x3FB4]  }
0x2b: {  	s6 =	sld [smem:$0x3FB5]  }
0x2c: {  	s7 =	sld [smem:$0x3FB6]  }
0x2d: {  	s3 =	simm.s32 $0x108;
	s8 =	sld [smem:$0x3FB7]  }
0x2e: {  	s3 =	simm.s32 @!p0 $0x1082;
	s9 =	sld [smem:$0x3FB8]  }
0x2f: {  	lr =	sadd.s32 s0, s3;
	s0 =	sld [smem:$0x3FAF]  }
0x30: {  	s3 =	sld [smem:$0x3FB2]  }
0x31: {  	[smem:$0x3FBB] =	sst s10  }
0x32: {  	s10 =	sld [smem:$0x3FB9];
	_ =	sdelay $0x3  }
0x33: {  	p0 =	seq.s32 s10, $0x1;
	s10 =	sld [smem:$0x3FBB];
	_ =	sdelay $0x3  }
0x34: {  	[smem:$0x3FBB] =	sst s10  }
0x35: {  	s10 =	sld [smem:$0x3FBA];
	_ =	sdelay $0x3  }
0x36: {  	p1 =	seq.s32 s10, $0x1;
	s10 =	sld [smem:$0x3FBB];
	_ =	sdelay $0x3  }
0x37: {  	[smem:$0x3FBB] =	sst s10  }
0x38: {  	s10 =	sld [smem:$0x3FBC]  }
0x39: {  	_ = 	snop;
	(pc) =	sbr.ind lr, $3  }
0x3a: {  	_ = 	snop  }
0x3b: {  	_ = 	snop  }
0x3c: {  	p2 =	seq.s32 s10, $0x1;
	s10 =	sld [smem:$0x3FBB]  }
0x3d: {  	_ =	shalt  }
0x3e: {  	_ =	shalt  }
0x3f: {  	_ =	shalt  }
0x40: {  	_ =	shalt  }
0x41: {  	_ =	shalt  }
0x42: {  	_ =	shalt  }
0x43: {  	_ =	shalt  }
0x44: {  	_ =	shalt  }
0x45: {  	_ =	shalt  }
0x46: {  	_ =	shalt  }
0x47: {  	_ =	shalt  }
0x48: {  	_ =	shalt  }
0x49: {  	_ =	shalt  }
0x4a: {  	_ =	shalt  }
0x4b: {  	_ =	shalt  }
0x4c: {  	_ =	shalt  }
0x4d: {  	_ =	shalt  }
0x4e: {  	_ =	shalt  }
0x4f: {  	_ =	shalt  }
0x50: {  	_ =	shalt  }
0x51: {  	_ =	shalt  }
0x52: {  	_ =	shalt  }
0x53: {  	_ =	shalt  }
0x54: {  	_ =	shalt  }
0x55: {  	_ =	shalt  }
0x56: {  	_ =	shalt  }
0x57: {  	_ =	shalt  }
0x58: {  	_ =	shalt  }
0x59: {  	_ =	shalt  }
0x5a: {  	_ =	shalt  }
0x5b: {  	_ =	shalt  }
0x5c: {  	_ =	shalt  }
0x5d: {  	_ =	shalt  }
0x5e: {  	_ =	shalt  }
0x5f: {  	_ =	shalt  }
0x60: {  	_ =	shalt  }
0x61: {  	_ =	shalt  }
0x62: {  	_ =	shalt  }
0x63: {  	_ =	shalt  }
0x64: {  	_ =	shalt  }
0x65: {  	_ =	shalt  }
0x66: {  	_ =	shalt  }
0x67: {  	_ =	shalt  }
0x68: {  	_ =	shalt  }
0x69: {  	_ =	shalt  }
0x6a: {  	_ =	shalt  }
0x6b: {  	_ =	shalt  }
0x6c: {  	_ =	shalt  }
0x6d: {  	_ =	shalt  }
0x6e: {  	_ =	shalt  }
0x6f: {  	_ =	shalt  }
0x70: {  	_ =	shalt  }
0x71: {  	_ =	shalt  }
0x72: {  	_ =	shalt  }
0x73: {  	_ =	shalt  }
0x74: {  	_ =	shalt  }
0x75: {  	_ =	shalt  }
0x76: {  	_ =	shalt  }
0x77: {  	_ =	shalt  }
0x78: {  	_ =	shalt  }
0x79: {  	_ =	shalt  }
0x7a: {  	_ =	shalt  }
0x7b: {  	_ =	shalt  }
0x7c: {  	_ =	shalt  }
0x7d: {  	_ =	shalt  }
0x7e: {  	_ =	shalt  }
0x7f: {  	_ =	shalt  }
0x80: {  	_ =	shalt  }
0x81: {  	_ =	shalt  }
0x82: {  	_ =	shalt  }
0x83: {  	_ =	shalt  }
0x84: {  	_ =	shalt  }
0x85: {  	_ =	shalt  }
0x86: {  	_ =	shalt  }
0x87: {  	_ =	shalt  }
.Lfunc_end0:
.L_simem_size_0:
called_computation.1_lowered:
.L_overlay_start_0:
0x88: {  	s2 =	sld [smem:$0x3FD9]  }
0x89: {  	s3 =	sld [smem:$0x3FFE];
	_ =	sdelay $0x1  }
0x8a: {  	s1 =	srdreg.scid  }
0x8b: {  	s0 =	sand.u32 $0x1, s1  }
0x8c: {  	s17 =	sshll.u32 s0, $0xA;
	s2 =	sadd.s32 s3, s2  }
0x8d: {  	s2 =	sadd.s32 s2, s17  }
0x8e: {  	[smem:$0x3FC7] =	sst s2  }
0x8f: {  	_ = 	snop  }
0x90: {  	s2 =	sld [smem:$0x3FD0];
	(tm) =	ssettm $0x1  }
0x91: {  	s18 =	sld [smem:$0x3FFB];
	_ =	sdelay $0x3  }
0x92: {  	_ =	strace s18  }
0x93: {  	s3 =	sld [smem:$0x3FFC];
	_ =	sdelay $0x3  }
0x94: {  	_ =	strace s3  }
0x95: {  	s3 =	sld [smem:$0x3FFD];
	_ =	sdelay $0x3  }
0x96: {  	_ =	strace s3  }
0x97: {  	_ =	strace $0x8FFFFFFF  }
0x98: {  	s19 =	sld [smem:$0x3FDB];
	_ =	sdelay $0x1  }
0x99: {  	s4 =	simm.s32 $_scs_section_size  }
0x9a: {  	s5 =	simm.s32 $_size__tile_overlayer_lowered;
	s6 =	simm.s32 $_tile_overlayer_lowered  }
0x9b: {  	s22 =	simm.s32 $0x1BFF;
	s21 =	sshll.u32 s6, $0x1;
	s3 =	sadd.s32 s4, s19  }
0x9c: {  	s7 =	simm.s32 $0x0;
	s20 =	sshll.u32 s5, $0x1;
	s5 =	sadd.s32 s21, s3  }
0x9d: {  	[timem:s7], [sflag:s22] =	dma.local [hbm:s5], s20  }
0x9e: {  	_ =	swait.ge [sflag:s22], s20  }
0x9f: {  	s4 =	ssub.s32 $0x0, s20;
	[sflag:s22] =	ssyncset.done $0x0  }
0xa0: {  	[sflag:s22] =	ssyncadd.s32 s4;
	_ =	sdelay $0x1  }
0xa1: {  	s23 =	simm.s32 $0x1B8B  }
0xa2: {  	_ =	swait.ge [sflag:s23], $0x1  }
0xa3: {  	[sflag:s23] =	ssyncset.done $0x0  }
0xa4: {  	s25 =	simm.s32 $0x1B8E;
	s24 =	sld [smem:$0x3FFE];
	[sflag:s23] =	ssyncadd.s32 $0xFFFFFFFF  }
0xa5: {  	s26 =	simm.s32 $execute0_lowered;
	[smem:$0x3FD2] =	sst s25  }
0xa6: {  	s5 =	sshll.u32 s26, $0x1;
	_ =	strace $0x80000046;
	[dreg:$0x1] =	wrdreg $0xFFFFFFFF  }
0xa7: {  	s28 =	simm.s32 $_size_execute0_lowered;
	s3 =	sadd.s32 s3, s5;
	[dreg:$0x0] =	wrdreg $0x0  }
0xa8: {  	s5 =	sshll.u32 s28, $0x1;
	[dreg:$0x2] =	wrdreg s3  }
0xa9: {  	[dreg:$0x3] =	wrdreg s5  }
0xaa: {  	[dreg:$0x4] =	wrdreg $0xC0  }
0xab: {  	_ =	task [dreg:s7], $0x5FFFF  }
0xac: {  	[dreg:$0x1] =	wrdreg $0xFFFFFFFF  }
0xad: {  	[dreg:$0x0] =	wrdreg $0x60  }
0xae: {  	[dreg:$0x2] =	wrdreg s2  }
0xaf: {  	[dreg:$0x3] =	wrdreg s24  }
0xb0: {  	[dreg:$0x4] =	wrdreg $0x9  }
0xb1: {  	_ =	task.clear_ibuf [dreg:s7], $0x5FFFF;
	_ =	strace $0x90000046  }
0xb2: {  	s29 =	simm.s32 $0x9;
	_ =	strace $0x80000048  }
0xb3: {  	_ =	swait.ge [sflag:s29], $0x1  }
0xb4: {  	[sflag:s29] =	ssyncadd.s32 $0xFFFFFFFF  }
0xb5: {  	_ =	strace $0x90000048  }
0xb6: {  	_ =	sfence  }
0xb7: {  	s30 =	sld [smem:$0x0];
	_ =	sdelay $0x2  }
0xb8: {  	s31 =	sshll.u32 s1, $0xD;
	s1 =	sshrl.u32 s1, $0x2  }
0xb9: {  	s3 =	sand.u32 $0x4000, s31;
	s1 =	sadd.s32 s1, s30  }
0xba: {  	s0 =	sor.u32 s3, s0;
	s1 =	sshll.u32 s1, $0x11  }
0xbb: {  	s0 =	sor.u32 s1, s0  }
0xbc: {  	s0 =	sadd.s32 $0x8F2B, s0  }
0xbd: {  	[sflag:s0] =	ssyncadd.remote.s32 $0x1  }
0xbe: {  	_ =	sfence.sel $0xFFFF  }
0xbf: {  	[dreg:$0x0] =	wrdreg $0xFFFFFFFF;
	(pc) =	sbr.abs _section_cstart, $3  }
0xc0: {  	[dreg:$0x1] =	wrdreg $0xFFFFFFFF  }
0xc1: {  	_ =	task.clear_ibuf [dreg:s7], $0x2FFFF;
	_ =	strace $0x9FFFFFFF  }
0xc2: {  	(tm) =	ssettm $0x7FFFFFFF  }
0xc3: {  	_ =	shalt  }
tec
execute0_lowered:
.L_overlay_start_1:
0x0: {  	(tag) =	ssettag $0x1  }
0x1: {  	s1 =	srdreg.scid  }
0x2: {  	s0 =	stileid.u32;
	s2 =	rddreg [dreg:$0x0]  }
0x3: {  	s6 =	rddreg [dreg:$0x1];
	s4 =	simm.s32 $0x0;
	s10 =	simm.s32 $0x5  }
0x4: {  	s11 =	simm.s32 $0x1;
	s12 =	simm.s32 $0x4000;
	s5 =	sand.u32 $0x1, s1  }
0x5: {  	s13 =	simm.s32 $0x2;
	s31 =	sshll.u32 s0, $0x6;
	s3 =	sshll.u32 s5, $0x5  }
0x6: {  	s14 =	simm.s32 $0x3;
	s15 =	simm.s32 $0x4;
	s3 =	sor.u32 s3, s31  }
.Ltmp0:
0x7: {  	s16 =	simm.s32 $0x0;
	s7 =	sshrl.u32 s3, $0x3;
	(pc) =	sbr.rel .LBB2_1-.Ltmp0, $4  }
0x8: {  	[smem:$0x7FF] =	sst s4;
	s8 =	ssub.s32 $0x2, s5;
	s7 =	smul.u32 $0x2080, s7  }
0x9: {  	s1 =	rddreg [dreg:$0x2];
	_ =	strace $0x80000047;
	s9 =	sshrl.u32 s8, $0x1  }
0xa: {  	s5 =	sadd.s32 $0xA00, s6;
	s9 =	ssub.s32 s8, s9;
	s7 =	sadd.s32 s2, s7  }
0xb: {  	s6 =	sadd.s32 $0x1200, s6;
	s9 =	smax.u32 s9, $0x1;
	s8 =	sadd.s32 $0x10, s7  }
.LBB2_22:
0xc: {  	s16 =	sadd.s32 $0x1, s16  }
0xd: {  	_ =	swait.ge [sflag:s14], $0x4000;
	p0 =	sne.s32 s16, s9  }
.Ltmp1:
0xe: {  	[sflag:s14] =	ssyncset.done $0x0;
	(pc) =	sbr.rel @!p0 .LBB2_23-.Ltmp1, $4  }
0xf: {  	[sflag:s14] =	ssyncadd.s32 $0xFFFFC000  }
0x10: {  	_ =	swait.ge [sflag:s15], $0x4000  }
0x11: {  	[sflag:s15] =	ssyncset.done $0x0  }
0x12: {  	[sflag:s15] =	ssyncadd.s32 $0xFFFFC000  }
.LBB2_1:
0x13: {  	[tilespmem:s4], [sflag:$0x5] =	stream.linear.gather [hbm4b:s5+s4], $0x4000, $0x38;
	[tilespmem:$0x10100] =	vst v63  }
0x14: {  	_ =	swait.ge [sflag:s10], $0x4000  }
0x15: {  	s17 =	simm.s32 $0x80;
	s20 =	sadd.s32 $0x0, s7;
	[sflag:s10] =	ssyncset.done $0x0  }
0x16: {  	s18 =	simm.s32 $0x4100;
	s19 =	simm.s32 $0x4000;
	[sflag:s10] =	ssyncadd.s32 $0xFFFFC000  }
.LBB2_2:
0x17: {  	[tilespmem:s19], [sflag:$0x1] =	stream.linear.gather [hbm4b:s20+s4], $0x80, $0x38;
	[tilespmem:$0x10100] =	vst v63  }
0x18: {  	s20 =	smov.u32 s17;
	s19 =	smov.u32 s18;
	p0 =	sne.s32 s17, $0x2000  }
.Ltmp2:
0x19: {  	s17 =	sadd.s32 $0x80, s17;
	(pc) =	sbr.rel @p0 .LBB2_2-.Ltmp2, $2  }
0x1a: {  	_ =	sdelay $0x2  }
0x1b: {  	s18 =	sadd.s32 $0x100, s18;
	s20 =	sadd.s32 s20, s7  }
0x1c: {  	[tilespmem:s19], [sflag:$0x1] =	stream.linear.gather [hbm4b:s20+s4], $0x80, $0x38;
	[tilespmem:$0x10100] =	vst v63  }
0x1d: {  	s17 =	simm.s32 $0x0;
	s18 =	simm.s32 $0x4080  }
0x1e: {  	s19 =	simm.s32 $0x80;
	s21 =	sadd.s32 $0x0, s8;
	s20 =	simm.s32 $0x4180  }
.LBB2_4:
0x1f: {  	[tilespmem:s18], [sflag:$0x2] =	stream.linear.gather [hbm4b:s21+s17], $0x80, $0x38;
	[tilespmem:$0x10100] =	vst v63  }
0x20: {  	s21 =	smov.u32 s19;
	s18 =	smov.u32 s20;
	p0 =	sne.s32 s19, $0x2000  }
.Ltmp3:
0x21: {  	s19 =	sadd.s32 $0x80, s19;
	(pc) =	sbr.rel @p0 .LBB2_4-.Ltmp3, $2  }
0x22: {  	_ =	sdelay $0x2  }
0x23: {  	s20 =	sadd.s32 $0x100, s20;
	s21 =	sadd.s32 s21, s8  }
0x24: {  	[tilespmem:s18], [sflag:$0x2] =	stream.linear.gather [hbm4b:s21+s17], $0x80, $0x38;
	[tilespmem:$0x10100] =	vst v63  }
.LBB2_6:
0x25: {  	_ =	swait.ge [sflag:s11], $0x2080  }
0x26: {  	p0 =	seq.s32 s17, $0x0;
	[sflag:s11] =	ssyncset.done $0x0  }
0x27: {  	s21 =	simm.s32 @!p0 $0x3;
	[sflag:s11] =	ssyncadd.s32 $0xFFFFDF80  }
0x28: {  	s18 =	sshll.u32 s17, $0x1;
	s20 =	sshll.u32 s17, $0x5;
	_ =	swait.ge @!p0 [sflag:s21], $0x4000  }
0x29: {  	s22 =	simm.s32 $0x40;
	s19 =	sor.u32 s3, s18;
	[sflag:s21] =	ssyncset.done @!p0 $0x0  }
0x2a: {  	s20 =	sand.u32 $0x60, s20;
	[sflag:s21] =	ssyncadd.s32 @!p0 $0xFFFFC000;
	s21 =	simm.s32 $0x0  }
.LBB2_7:
0x2b: {  	v0 =	vld [tilespmem:s22+$0xFFFFFFC0];
	_ =	sdelay $0x4  }
0x2c: {  	v1 =	vshll.u32 v0, $0x1  }
0x2d: {  	v0 =	vand.u32 $0x7F, v0;
	v1 =	vand.u32 $0xFFFFFF00, v1  }
0x2e: {  	v0 =	vor.u32 v0, v1;
	_ =	sdelay $0x4  }
0x2f: {  	v0 =	vld.idx.msk [tilespmem:v0+s12+$0x0], $0xffff;
	_ =	sdelay $0x3  }
0x30: {  	s23 =	sshra.s32 s21, $0x2  }
0x31: {  	[tilespmem:s23+$0x8100] =	vst v0  }
0x32: {  	v0 =	vld [tilespmem:s22+$0xFFFFFFD0];
	_ =	sdelay $0x4  }
0x33: {  	v57 =	vshll.u32 v0, $0x1  }
0x34: {  	v0 =	vand.u32 $0x7F, v0;
	v1 =	vand.u32 $0xFFFFFF00, v57  }
0x35: {  	v0 =	vor.u32 v0, v1;
	_ =	sdelay $0x4  }
0x36: {  	v0 =	vld.idx.msk [tilespmem:v0+s12+$0x0], $0xffff;
	_ =	sdelay $0x4  }
0x37: {  	[tilespmem:s23+$0x8110] =	vst v0  }
0x38: {  	v0 =	vld [tilespmem:s22+$0xFFFFFFE0];
	_ =	sdelay $0x4  }
0x39: {  	v58 =	vshll.u32 v0, $0x1  }
0x3a: {  	v0 =	vand.u32 $0x7F, v0;
	v1 =	vand.u32 $0xFFFFFF00, v58  }
0x3b: {  	v0 =	vor.u32 v0, v1;
	_ =	sdelay $0x4  }
0x3c: {  	v0 =	vld.idx.msk [tilespmem:v0+s12+$0x0], $0xffff;
	_ =	sdelay $0x4  }
0x3d: {  	[tilespmem:s23+$0x8120] =	vst v0  }
0x3e: {  	v0 =	vld [tilespmem:s22+$0xFFFFFFF0];
	_ =	sdelay $0x4  }
0x3f: {  	v59 =	vshll.u32 v0, $0x1  }
0x40: {  	v0 =	vand.u32 $0x7F, v0;
	v1 =	vand.u32 $0xFFFFFF00, v59  }
0x41: {  	v0 =	vor.u32 v0, v1;
	_ =	sdelay $0x4  }
0x42: {  	v0 =	vld.idx.msk [tilespmem:v0+s12+$0x0], $0xffff;
	_ =	sdelay $0x4  }
0x43: {  	[tilespmem:s23+$0x8130] =	vst v0  }
0x44: {  	v0 =	vld [tilespmem:s22+$0x0];
	_ =	sdelay $0x4  }
0x45: {  	v60 =	vshll.u32 v0, $0x1  }
0x46: {  	v0 =	vand.u32 $0x7F, v0;
	v1 =	vand.u32 $0xFFFFFF00, v60  }
0x47: {  	v0 =	vor.u32 v0, v1;
	_ =	sdelay $0x4  }
0x48: {  	v0 =	vld.idx.msk [tilespmem:v0+s12+$0x0], $0xffff;
	_ =	sdelay $0x4  }
0x49: {  	[tilespmem:s23+$0x8140] =	vst v0  }
0x4a: {  	v0 =	vld [tilespmem:s22+$0x10];
	_ =	sdelay $0x4  }
0x4b: {  	v61 =	vshll.u32 v0, $0x1  }
0x4c: {  	v0 =	vand.u32 $0x7F, v0;
	v1 =	vand.u32 $0xFFFFFF00, v61  }
0x4d: {  	v0 =	vor.u32 v0, v1;
	_ =	sdelay $0x4  }
0x4e: {  	v0 =	vld.idx.msk [tilespmem:v0+s12+$0x0], $0xffff;
	_ =	sdelay $0x4  }
0x4f: {  	[tilespmem:s23+$0x8150] =	vst v0  }
0x50: {  	v0 =	vld [tilespmem:s22+$0x20];
	_ =	sdelay $0x4  }
0x51: {  	v62 =	vshll.u32 v0, $0x1  }
0x52: {  	v0 =	vand.u32 $0x7F, v0;
	v1 =	vand.u32 $0xFFFFFF00, v62  }
0x53: {  	v0 =	vor.u32 v0, v1;
	_ =	sdelay $0x4  }
0x54: {  	v0 =	vld.idx.msk [tilespmem:v0+s12+$0x0], $0xffff;
	_ =	sdelay $0x4  }
0x55: {  	[tilespmem:s23+$0x8160] =	vst v0  }
0x56: {  	v0 =	vld [tilespmem:s22+$0x30];
	_ =	sdelay $0x4  }
0x57: {  	v63 =	vshll.u32 v0, $0x1  }
0x58: {  	v0 =	vand.u32 $0x7F, v0;
	v1 =	vand.u32 $0xFFFFFF00, v63  }
0x59: {  	v0 =	vor.u32 v0, v1;
	_ =	sdelay $0x4  }
0x5a: {  	p1 =	sne.s32 s21, $0x1FC00;
	v0 =	vld.idx.msk [tilespmem:v0+s12+$0x0], $0xffff  }
.Ltmp4:
0x5b: {  	_ = 	snop;
	(pc) =	sbr.rel @p1 .LBB2_7-.Ltmp4, $2  }
0x5c: {  	_ =	sdelay $0x2  }
0x5d: {  	s21 =	sadd.s32 $0x400, s21;
	s22 =	sadd.s32 $0x80, s22;
	[tilespmem:s23+$0x8170] =	vst v0  }
0x5e: {  	s21 =	sshll.u32 s19, $0xB  }
0x5f: {  	s20 =	sadd.s32 s6, s20;
	s21 =	sand.u32 $0x1FC000, s21  }
0x60: {  	s22 =	simm.s32 $0x80;
	s20 =	sadd.s32 s21, s20  }
0x61: {  	s23 =	simm.s32 $0x8200;
	s21 =	simm.s32 $0x8100;
	s24 =	sadd.s32 $0x0, s20  }
.LBB2_9:
0x62: {  	[hbm4b:s24+s4] =	stream.linear.scatter [tilespmem:s21], [sflag:$0x3], $0x80, $0x38;
	[tilespmem:$0x10100] =	vst v63  }
0x63: {  	s24 =	smov.u32 s22;
	s21 =	smov.u32 s23;
	p1 =	sne.s32 s22, $0x3F80  }
.Ltmp5:
0x64: {  	s22 =	sadd.s32 $0x80, s22;
	(pc) =	sbr.rel @p1 .LBB2_9-.Ltmp5, $2  }
0x65: {  	_ =	sdelay $0x2  }
0x66: {  	s23 =	sadd.s32 $0x100, s23;
	s24 =	sadd.s32 s24, s20  }
0x67: {  	p1 =	seq.s32 s17, $0xF  }
.Ltmp6:
0x68: {  	_ = 	snop;
	(pc) =	sbr.rel @p1 .LBB2_14-.Ltmp6, $2  }
0x69: {  	_ =	sdelay $0x2  }
0x6a: {  	[hbm4b:s24+s4] =	stream.linear.scatter [tilespmem:s21], [sflag:$0x3], $0x80, $0x38;
	[tilespmem:$0x10100] =	vst v63  }
0x6b: {  	s19 =	sadd.s32 $0x2, s19  }
0x6c: {  	s20 =	sshrl.u32 s19, $0x3  }
0x6d: {  	s19 =	sshll.u32 s19, $0x7;
	s20 =	smul.u32 $0x10400, s20  }
0x6e: {  	s19 =	sand.u32 $0x300, s19  }
0x6f: {  	s19 =	sor.u32 s19, s20  }
0x70: {  	s19 =	sshrl.u32 s19, $0x3  }
0x71: {  	s21 =	simm.s32 $0x80;
	s19 =	sadd.s32 s2, s19  }
0x72: {  	s22 =	simm.s32 $0x4100;
	s20 =	simm.s32 $0x4000;
	s23 =	sadd.s32 $0x0, s19  }
.LBB2_12:
0x73: {  	[tilespmem:s20], [sflag:$0x1] =	stream.linear.gather [hbm4b:s23+s4], $0x80, $0x38;
	[tilespmem:$0x10100] =	vst v63  }
0x74: {  	s23 =	smov.u32 s21;
	s20 =	smov.u32 s22;
	p2 =	sne.s32 s21, $0x2000  }
.Ltmp7:
0x75: {  	s21 =	sadd.s32 $0x80, s21;
	(pc) =	sbr.rel @p2 .LBB2_12-.Ltmp7, $2  }
0x76: {  	_ =	sdelay $0x2  }
0x77: {  	s22 =	sadd.s32 $0x100, s22;
	s23 =	sadd.s32 s23, s19  }
0x78: {  	[tilespmem:s20], [sflag:$0x1] =	stream.linear.gather [hbm4b:s23+s4], $0x80, $0x38;
	[tilespmem:$0x10100] =	vst v63  }
.LBB2_14:
0x79: {  	_ =	swait.ge [sflag:s13], $0x2080  }
0x7a: {  	[sflag:s13] =	ssyncset.done $0x0  }
0x7b: {  	s20 =	simm.s32 @!p0 $0x4;
	[sflag:s13] =	ssyncadd.s32 $0xFFFFDF80  }
0x7c: {  	s18 =	sor.u32 $0x1, s18;
	s21 =	simm.s32 $0x81F0;
	_ =	swait.ge @!p0 [sflag:s20], $0x4000  }
0x7d: {  	s19 =	sshll.u32 s18, $0x4;
	s18 =	sor.u32 s3, s18;
	[sflag:s20] =	ssyncset.done @!p0 $0x0  }
0x7e: {  	s19 =	sand.u32 $0x70, s19;
	[sflag:s20] =	ssyncadd.s32 @!p0 $0xFFFFC000;
	s20 =	simm.s32 $0x0  }
.LBB2_15:
0x7f: {  	s22 =	sshra.s32 s20, $0x2  }
0x80: {  	v0 =	vld [tilespmem:s22+$0x0];
	_ =	sdelay $0x4  }
0x81: {  	v1 =	vshll.u32 v0, $0x1  }
0x82: {  	v0 =	vand.u32 $0x7F, v0;
	v1 =	vand.u32 $0xFFFFFF00, v1  }
0x83: {  	v0 =	vor.u32 v1, v0  }
0x84: {  	v0 =	vor.u32 $0x80, v0;
	_ =	sdelay $0x4  }
0x85: {  	v0 =	vld.idx.msk [tilespmem:v0+s12+$0x0], $0xffff;
	_ =	sdelay $0x4  }
0x86: {  	[tilespmem:s21+$0xFFFFFF90] =	vst v0  }
0x87: {  	v0 =	vld [tilespmem:s22+$0x10];
	_ =	sdelay $0x4  }
0x88: {  	v57 =	vshll.u32 v0, $0x1  }
0x89: {  	v0 =	vand.u32 $0x7F, v0;
	v1 =	vand.u32 $0xFFFFFF00, v57  }
0x8a: {  	v0 =	vor.u32 v1, v0  }
0x8b: {  	v0 =	vor.u32 $0x80, v0;
	_ =	sdelay $0x4  }
0x8c: {  	v0 =	vld.idx.msk [tilespmem:v0+s12+$0x0], $0xffff;
	_ =	sdelay $0x4  }
0x8d: {  	[tilespmem:s21+$0xFFFFFFA0] =	vst v0  }
0x8e: {  	v0 =	vld [tilespmem:s22+$0x20];
	_ =	sdelay $0x4  }
0x8f: {  	v58 =	vshll.u32 v0, $0x1  }
0x90: {  	v0 =	vand.u32 $0x7F, v0;
	v1 =	vand.u32 $0xFFFFFF00, v58  }
0x91: {  	v0 =	vor.u32 v1, v0  }
0x92: {  	v0 =	vor.u32 $0x80, v0;
	_ =	sdelay $0x4  }
0x93: {  	v0 =	vld.idx.msk [tilespmem:v0+s12+$0x0], $0xffff;
	_ =	sdelay $0x4  }
0x94: {  	[tilespmem:s21+$0xFFFFFFB0] =	vst v0  }
0x95: {  	v0 =	vld [tilespmem:s22+$0x30];
	_ =	sdelay $0x4  }
0x96: {  	v59 =	vshll.u32 v0, $0x1  }
0x97: {  	v0 =	vand.u32 $0x7F, v0;
	v1 =	vand.u32 $0xFFFFFF00, v59  }
0x98: {  	v0 =	vor.u32 v1, v0  }
0x99: {  	v0 =	vor.u32 $0x80, v0;
	_ =	sdelay $0x4  }
0x9a: {  	v0 =	vld.idx.msk [tilespmem:v0+s12+$0x0], $0xffff;
	_ =	sdelay $0x4  }
0x9b: {  	[tilespmem:s21+$0xFFFFFFC0] =	vst v0  }
0x9c: {  	v0 =	vld [tilespmem:s22+$0x40];
	_ =	sdelay $0x4  }
0x9d: {  	v60 =	vshll.u32 v0, $0x1  }
0x9e: {  	v0 =	vand.u32 $0x7F, v0;
	v1 =	vand.u32 $0xFFFFFF00, v60  }
0x9f: {  	v0 =	vor.u32 v1, v0  }
0xa0: {  	v0 =	vor.u32 $0x80, v0;
	_ =	sdelay $0x4  }
0xa1: {  	v0 =	vld.idx.msk [tilespmem:v0+s12+$0x0], $0xffff;
	_ =	sdelay $0x4  }
0xa2: {  	[tilespmem:s21+$0xFFFFFFD0] =	vst v0  }
0xa3: {  	v0 =	vld [tilespmem:s22+$0x50];
	_ =	sdelay $0x4  }
0xa4: {  	v61 =	vshll.u32 v0, $0x1  }
0xa5: {  	v0 =	vand.u32 $0x7F, v0;
	v1 =	vand.u32 $0xFFFFFF00, v61  }
0xa6: {  	v0 =	vor.u32 v1, v0  }
0xa7: {  	v0 =	vor.u32 $0x80, v0;
	_ =	sdelay $0x4  }
0xa8: {  	v0 =	vld.idx.msk [tilespmem:v0+s12+$0x0], $0xffff;
	_ =	sdelay $0x4  }
0xa9: {  	[tilespmem:s21+$0xFFFFFFE0] =	vst v0  }
0xaa: {  	v0 =	vld [tilespmem:s22+$0x60];
	_ =	sdelay $0x4  }
0xab: {  	v62 =	vshll.u32 v0, $0x1  }
0xac: {  	v0 =	vand.u32 $0x7F, v0;
	v1 =	vand.u32 $0xFFFFFF00, v62  }
0xad: {  	v0 =	vor.u32 v1, v0  }
0xae: {  	v0 =	vor.u32 $0x80, v0;
	_ =	sdelay $0x4  }
0xaf: {  	v0 =	vld.idx.msk [tilespmem:v0+s12+$0x0], $0xffff;
	_ =	sdelay $0x4  }
0xb0: {  	[tilespmem:s21+$0xFFFFFFF0] =	vst v0  }
0xb1: {  	v0 =	vld [tilespmem:s22+$0x70];
	_ =	sdelay $0x4  }
0xb2: {  	v63 =	vshll.u32 v0, $0x1  }
0xb3: {  	v0 =	vand.u32 $0x7F, v0;
	v1 =	vand.u32 $0xFFFFFF00, v63  }
0xb4: {  	v0 =	vor.u32 v1, v0  }
0xb5: {  	v0 =	vor.u32 $0x80, v0;
	_ =	sdelay $0x4  }
0xb6: {  	p0 =	sne.s32 s20, $0xFE00;
	v0 =	vld.idx.msk [tilespmem:v0+s12+$0x0], $0xffff  }
.Ltmp8:
0xb7: {  	_ = 	snop;
	(pc) =	sbr.rel @p0 .LBB2_15-.Ltmp8, $2  }
0xb8: {  	_ =	sdelay $0x2  }
0xb9: {  	s20 =	sadd.s32 $0x200, s20;
	[tilespmem:s21+$0x0] =	vst v0;
	s21 =	sadd.s32 $0x100, s21  }
0xba: {  	s20 =	sshll.u32 s18, $0xB  }
0xbb: {  	s19 =	sadd.s32 s6, s19;
	s20 =	sand.u32 $0x1FC000, s20  }
0xbc: {  	s21 =	simm.s32 $0x80;
	s19 =	sadd.s32 s20, s19  }
0xbd: {  	s22 =	simm.s32 $0x8280;
	s20 =	simm.s32 $0x8180;
	s23 =	sadd.s32 $0x0, s19  }
.LBB2_17:
0xbe: {  	[hbm4b:s23+s4] =	stream.linear.scatter [tilespmem:s20], [sflag:$0x4], $0x80, $0x38;
	[tilespmem:$0x10100] =	vst v63  }
0xbf: {  	s23 =	smov.u32 s21;
	s20 =	smov.u32 s22;
	p0 =	sne.s32 s21, $0x3F80  }
.Ltmp9:
0xc0: {  	s21 =	sadd.s32 $0x80, s21;
	(pc) =	sbr.rel @p0 .LBB2_17-.Ltmp9, $2  }
0xc1: {  	_ =	sdelay $0x2  }
0xc2: {  	s22 =	sadd.s32 $0x100, s22;
	s23 =	sadd.s32 s23, s19  }
.Ltmp10:
0xc3: {  	(pc) =	sbr.rel @p1 .LBB2_22-.Ltmp10, $2  }
0xc4: {  	_ =	sdelay $0x2  }
0xc5: {  	[hbm4b:s23+s4] =	stream.linear.scatter [tilespmem:s20], [sflag:$0x4], $0x80, $0x38;
	[tilespmem:$0x10100] =	vst v63  }
0xc6: {  	s18 =	sadd.s32 $0x2, s18  }
0xc7: {  	s19 =	sshrl.u32 s18, $0x3  }
0xc8: {  	s18 =	sshll.u32 s18, $0x7;
	s19 =	smul.u32 $0x10400, s19  }
0xc9: {  	s18 =	sand.u32 $0x380, s18  }
0xca: {  	s18 =	sor.u32 s18, s19  }
0xcb: {  	s18 =	sshrl.u32 s18, $0x3  }
0xcc: {  	s20 =	simm.s32 $0x80;
	s18 =	sadd.s32 s2, s18  }
0xcd: {  	s21 =	simm.s32 $0x4180;
	s19 =	simm.s32 $0x4080;
	s22 =	sadd.s32 $0x0, s18  }
.LBB2_20:
0xce: {  	[tilespmem:s19], [sflag:$0x2] =	stream.linear.gather [hbm4b:s22+s4], $0x80, $0x38;
	[tilespmem:$0x10100] =	vst v63  }
0xcf: {  	s22 =	smov.u32 s20;
	s19 =	smov.u32 s21;
	p0 =	sne.s32 s20, $0x2000  }
.Ltmp11:
0xd0: {  	s20 =	sadd.s32 $0x80, s20;
	(pc) =	sbr.rel @p0 .LBB2_20-.Ltmp11, $2  }
0xd1: {  	_ =	sdelay $0x2  }
0xd2: {  	s21 =	sadd.s32 $0x100, s21;
	s22 =	sadd.s32 s22, s18  }
.Ltmp12:
0xd3: {  	(pc) =	sbr.rel .LBB2_6-.Ltmp12, $3  }
0xd4: {  	_ =	sdelay $0x1  }
0xd5: {  	[tilespmem:s19], [sflag:$0x2] =	stream.linear.gather [hbm4b:s22+s4], $0x80, $0x38;
	[tilespmem:$0x10100] =	vst v63  }
0xd6: {  	s17 =	sadd.s32 $0x1, s17  }
.LBB2_23:
0xd7: {  	_ =	sfence.sel $0x180000  }
0xd8: {  	[bflag:$0x0] =	sbarrier.arrive $0xFFFF  }
0xd9: {  	p0 =	sne.s32 s0, $0x0;
	_ =	strace $0x90000047  }
0xda: {  	s0 =	sadd.s32 @!p0 $0x100000, s1;
	[bflag:$0x2] =	sbarrier.arrive $0xFFFF  }
0xdb: {  	[sflag:s0] =	ssyncadd.tile.s32 @!p0 $0x1;
	_ =	shalt  }
.Lfunc_end2:
_tile_overlayer_lowered:
.L_overlay_start_2:
0xdc: {  	(tag) =	ssettag $0x2  }
0xdd: {  	s0 =	rddreg [dreg:$0x0];
	s2 =	stileid.u32  }
0xde: {  	s1 =	rddreg [dreg:$0x1];
	p0 =	sne.s32 s2, $0x0  }
0xdf: {  	s3 =	rddreg [dreg:$0x2];
	[bflag:$0x3] =	sbarrier.arrive $0xFFFF;
	s2 =	simm.s32 @!p0 $0x1C05  }
0xe0: {  	[timem:s3], [sflag:s2] =	dma.local @!p0 [hbm:s0], s1  }
0xe1: {  	s0 =	simm.s32 @!p0 $0x5  }
0xe2: {  	_ =	swait.ge @!p0 [sflag:s0], s1  }
0xe3: {  	s1 =	ssub.s32 @!p0 $0x0, s1;
	[sflag:s0] =	ssyncset.done @!p0 $0x0  }
0xe4: {  	[sflag:s0] =	ssyncadd.s32 @!p0 s1  }
0xe5: {  	[bflag:$0x3] =	sbarrier.arrive $0xFFFF  }
0xe6: {  	_ =	shalt  }

// kernel: sparse-core-data-format-call.cloned.1.call-start
scs
called_computation_lowered:
.L_overlay_start_0:
0x0: {  	s2 =	sld [smem:$0x3FD9]  }
0x1: {  	s3 =	sld [smem:$0x3FFE];
	_ =	sdelay $0x1  }
0x2: {  	s1 =	srdreg.scid  }
0x3: {  	s0 =	sand.u32 $0x1, s1  }
0x4: {  	s18 =	sshll.u32 s0, $0xA;
	s2 =	sadd.s32 s3, s2  }
0x5: {  	s2 =	sadd.s32 s2, s18  }
0x6: {  	[smem:$0x3FC7] =	sst s2  }
0x7: {  	_ = 	snop  }
0x8: {  	s2 =	sld [smem:$0x3FD0];
	(tm) =	ssettm $0x1  }
0x9: {  	s19 =	sld [smem:$0x3FFB];
	_ =	sdelay $0x3  }
0xa: {  	_ =	strace s19  }
0xb: {  	s3 =	sld [smem:$0x3FFC];
	_ =	sdelay $0x3  }
0xc: {  	_ =	strace s3  }
0xd: {  	s3 =	sld [smem:$0x3FFD];
	_ =	sdelay $0x3  }
0xe: {  	_ =	strace s3  }
0xf: {  	_ =	strace $0x8FFFFFFF  }
0x10: {  	s20 =	sld [smem:$0x3FDB];
	_ =	sdelay $0x1  }
0x11: {  	s4 =	simm.s32 $_scs_section_size  }
0x12: {  	s5 =	simm.s32 $_size__tile_overlayer_lowered;
	s6 =	simm.s32 $_tile_overlayer_lowered  }
0x13: {  	s23 =	simm.s32 $0x1BFF;
	s22 =	sshll.u32 s6, $0x1;
	s3 =	sadd.s32 s4, s20  }
0x14: {  	s7 =	simm.s32 $0x0;
	s21 =	sshll.u32 s5, $0x1;
	s5 =	sadd.s32 s22, s3  }
0x15: {  	[timem:s7], [sflag:s23] =	dma.local [hbm:s5], s21  }
0x16: {  	_ =	swait.ge [sflag:s23], s21  }
0x17: {  	s4 =	ssub.s32 $0x0, s21;
	[sflag:s23] =	ssyncset.done $0x0  }
0x18: {  	[sflag:s23] =	ssyncadd.s32 s4;
	_ =	sdelay $0x1  }
0x19: {  	s24 =	simm.s32 $0x1B8B  }
0x1a: {  	_ =	swait.ge [sflag:s24], $0x1  }
0x1b: {  	[sflag:s24] =	ssyncset.done $0x0  }
0x1c: {  	s26 =	simm.s32 $0x1B8E;
	s25 =	sld [smem:$0x3FFE];
	[sflag:s24] =	ssyncadd.s32 $0xFFFFFFFF  }
0x1d: {  	s27 =	simm.s32 $execute0_lowered;
	[smem:$0x3FD2] =	sst s26  }
0x1e: {  	s5 =	sshll.u32 s27, $0x1;
	_ =	strace $0x80000049;
	[dreg:$0x1] =	wrdreg $0xFFFFFFFF  }
0x1f: {  	s28 =	simm.s32 $_size_execute0_lowered;
	s3 =	sadd.s32 s3, s5;
	[dreg:$0x0] =	wrdreg $0x0  }
0x20: {  	s5 =	sshll.u32 s28, $0x1;
	[dreg:$0x2] =	wrdreg s3  }
0x21: {  	[dreg:$0x3] =	wrdreg s5  }
0x22: {  	[dreg:$0x4] =	wrdreg $0xC0  }
0x23: {  	_ =	task [dreg:s7], $0x5FFFF  }
0x24: {  	[dreg:$0x1] =	wrdreg $0xFFFFFFFF  }
0x25: {  	[dreg:$0x0] =	wrdreg $0x60  }
0x26: {  	[dreg:$0x2] =	wrdreg s25  }
0x27: {  	[dreg:$0x3] =	wrdreg s2  }
0x28: {  	[dreg:$0x4] =	wrdreg $0x9  }
0x29: {  	_ =	task.clear_ibuf [dreg:s7], $0x5FFFF;
	_ =	strace $0x90000049  }
0x2a: {  	s29 =	simm.s32 $0x9;
	_ =	strace $0x8000004B  }
0x2b: {  	_ =	swait.ge [sflag:s29], $0x1  }
0x2c: {  	[sflag:s29] =	ssyncadd.s32 $0xFFFFFFFF  }
0x2d: {  	_ =	strace $0x9000004B  }
0x2e: {  	_ =	sfence  }
0x2f: {  	s30 =	sld [smem:$0x0];
	_ =	sdelay $0x2  }
0x30: {  	s31 =	sshll.u32 s1, $0xD;
	s1 =	sshrl.u32 s1, $0x2  }
0x31: {  	s3 =	sand.u32 $0x4000, s31;
	s1 =	sadd.s32 s1, s30  }
0x32: {  	s0 =	sor.u32 s3, s0;
	s1 =	sshll.u32 s1, $0x11  }
0x33: {  	s0 =	sor.u32 s1, s0  }
0x34: {  	s0 =	sadd.s32 $0x8F2B, s0  }
0x35: {  	[sflag:s0] =	ssyncadd.remote.s32 $0x1  }
0x36: {  	_ =	sfence.sel $0xFFFF  }
0x37: {  	[dreg:$0x0] =	wrdreg $0xFFFFFFFF;
	(pc) =	sbr.abs _section_cstart, $3  }
0x38: {  	[dreg:$0x1] =	wrdreg $0xFFFFFFFF  }
0x39: {  	_ =	task.clear_ibuf [dreg:s7], $0x2FFFF;
	_ =	strace $0x9FFFFFFF  }
0x3a: {  	(tm) =	ssettm $0x7FFFFFFF  }
0x3b: {  	_ =	shalt  }
tec
execute0_lowered:
.L_overlay_start_1:
0x0: {  	(tag) =	ssettag $0x1  }
0x1: {  	s1 =	rddreg [dreg:$0x0]  }
0x2: {  	s2 =	rddreg [dreg:$0x1]  }
0x3: {  	s0 =	rddreg [dreg:$0x2];
	_ =	strace $0x8000004A;
	s4 =	srdreg.scid  }
0x4: {  	s6 =	simm.s32 $0x2;
	s11 =	simm.s32 $0x0;
	p0 =	por $0x0, $0x0  }
.Ltmp0:
0x5: {  	s7 =	simm.s32 $0x4000;
	s12 =	simm.s32 $0x0;
	(pc) =	sbr.rel .LBB1_1-.Ltmp0, $4  }
0x6: {  	s9 =	simm.s32 $0x0;
	s3 =	sadd.s32 $0x1200, s1;
	s5 =	sshll.u32 s4, $0x4  }
0x7: {  	s1 =	stileid.u32;
	s4 =	simm.s32 $0x1;
	s5 =	sand.u32 $0x10, s5  }
0x8: {  	s8 =	simm.s32 $0x0;
	[sflag:s4] =	ssyncpa.u1 $0x0;
	s5 =	sor.u32 s1, s5  }
0x9: {  	[sflag:s6] =	ssyncpa.u1 $0x0;
	s6 =	simm.s32 $0x800;
	s10 =	smov.u32 s5  }
.LBB1_7:
0xa: {  	s13 =	sadd.s32 $0x10, s9  }
0xb: {  	s11 =	sadd.s32 $0x20, s10;
	s15 =	smov.u32 s10;
	p2 =	sgt.s32 s13, $0x7F  }
0xc: {  	p1 =	slt.u32 s8, $0x2;
	s15 =	smov.u32 @p2 s11  }
0xd: {  	s8 =	sadd.s32 $0x1, s8;
	s13 =	simm.s32 @p2 $0x0;
	p2 =	sgt.s32 s15, $0x7F  }
0xe: {  	s15 =	smov.u32 @p2 s5;
	p2 =	sne.s32 s8, $0x22  }
.Ltmp1:
0xf: {  	_ = 	snop;
	(pc) =	sbr.rel @!p2 .LBB1_8-.Ltmp1, $4  }
0x10: {  	s14 =	simm.s32 @!p1 $0x2  }
0x11: {  	s12 =	smov.u32 s10;
	_ =	swait.ge @!p1 [sflag:s14], $0x4000  }
0x12: {  	p0 =	por !p0, !p0;
	s11 =	smov.u32 s9;
	[sflag:s14] =	ssyncset.done @!p1 $0x0  }
0x13: {  	s9 =	smov.u32 s13;
	[sflag:s14] =	ssyncadd.s32 @!p1 $0xFFFFC000;
	s10 =	smov.u32 s15  }
.LBB1_1:
0x14: {  	p1 =	sgt.u32 s8, $0x1F  }
0x15: {  	s13 =	sxor.u32 @!p1 $0xFFFFFFFF, s8;
	s14 =	sshll.u32 @!p1 s10, $0xE  }
0x16: {  	s15 =	sshll.u32 @!p1 s9, $0x7;
	s13 =	sshll.u32 @!p1 s13, $0xE;
	s14 =	sadd.s32 @!p1 s3, s14  }
0x17: {  	s13 =	sand.u32 @!p1 $0x4000, s13;
	s14 =	sadd.s32 @!p1 s15, s14;
	s15 =	simm.s32 @!p1 $0x0  }
0x18: {  	[tilespmem:s13], [sflag:$0x1] =	stream.linear.gather @!p1 [hbm4b:s14+s15], $0x4000, $0x38;
	[tilespmem:$0x10000] =	vst v63  }
0x19: {  	p1 =	seq.s32 s8, $0x0  }
0x1a: {  	p2 =	seq.s32 @!p1 s8, $0x21  }
0x1b: {  	p1 =	por p1, p2  }
.Ltmp2:
0x1c: {  	_ = 	snop;
	(pc) =	sbr.rel @p1 .LBB1_7-.Ltmp2, $1  }
0x1d: {  	_ =	sdelay $0x3  }
0x1e: {  	s13 =	simm.s32 $0x1;
	_ =	swait.ge [sflag:s4], $0x4000;
	s16 =	sshll.u32 s8, $0xE  }
0x1f: {  	s13 =	simm.s32 @!p0 $0x0;
	[sflag:s4] =	ssyncset.done $0x0;
	s31 =	sand.u32 $0x4000, s16  }
0x20: {  	s16 =	simm.s32 $0x0;
	s14 =	sshll.u32 s13, $0xE;
	[sflag:s4] =	ssyncadd.s32 $0xFFFFC000  }
0x21: {  	s13 =	sor.u32 $0x8040, s14;
	s15 =	sor.u32 $0x40, s14;
	s14 =	sor.u32 $0x8000, s31  }
.LBB1_3:
0x22: {  	v0 =	vmov s15;
	_ =	sdelay $0x3  }
0x23: {  	s18 =	simm.s32 $0x0  }
0x24: {  	v6 =	vld.idx.msk [tilespmem:v0+s18+$0x30 ss:$0x1], $0xffff  }
0x25: {  	v7 =	vld.idx.msk [tilespmem:v0+s18+$0xFFFFFFC0 ss:$0x1], $0xffff  }
0x26: {  	v5 =	vld.idx.msk [tilespmem:v0+s18+$0xFFFFFFD0 ss:$0x1], $0xffff  }
0x27: {  	v4 =	vld.idx.msk [tilespmem:v0+s18+$0xFFFFFFE0 ss:$0x1], $0xffff  }
0x28: {  	v3 =	vld.idx.msk [tilespmem:v0+s18+$0xFFFFFFF0 ss:$0x1], $0xffff  }
0x29: {  	v1 =	vld.idx.msk [tilespmem:v0+s18+$0x0 ss:$0x1], $0xffff  }
0x2a: {  	v2 =	vld.idx.msk [tilespmem:v0+s18+$0x10 ss:$0x1], $0xffff;
	[tilespmem:s13+$0x30] =	vst v6  }
0x2b: {  	s17 =	simm.s32 $0x80;
	s19 =	simm.s32 $0x400;
	[tilespmem:s13+$0xFFFFFFC0] =	vst v7;
	v6 =	vld.idx.msk [tilespmem:v0+s18+$0x20 ss:$0x1], $0xffff;
	s18 =	smov.u32 s13  }
.LBB1_4:
0x2c: {  	p1 =	sne.s32 s19, $0xE00;
	v7 =	vld.idx.msk [tilespmem:v0+s17+$0x30 ss:$0x1], $0xffff;
	[tilespmem:s18+$0xFFFFFFD0] =	vst v5  }
0x2d: {  	v8 =	vld.idx.msk [tilespmem:v0+s17+$0xFFFFFFC0 ss:$0x1], $0xffff;
	[tilespmem:s18+$0xFFFFFFE0] =	vst v4  }
0x2e: {  	v5 =	vld.idx.msk [tilespmem:v0+s17+$0xFFFFFFD0 ss:$0x1], $0xffff;
	[tilespmem:s18+$0xFFFFFFF0] =	vst v3  }
.Ltmp3:
0x2f: {  	v4 =	vld.idx.msk [tilespmem:v0+s17+$0xFFFFFFE0 ss:$0x1], $0xffff;
	[tilespmem:s18+$0x0] =	vst v1;
	(pc) =	sbr.rel @p1 .LBB1_4-.Ltmp3, $4  }
0x30: {  	v3 =	vld.idx.msk [tilespmem:v0+s17+$0xFFFFFFF0 ss:$0x1], $0xffff;
	[tilespmem:s18+$0x10] =	vst v2  }
0x31: {  	v1 =	vld.idx.msk [tilespmem:v0+s17+$0x0 ss:$0x1], $0xffff;
	[tilespmem:s18+$0x20] =	vst v6;
	s18 =	sadd.s32 $0x800, s18  }
0x32: {  	v2 =	vld.idx.msk [tilespmem:v0+s17+$0x10 ss:$0x1], $0xffff;
	[tilespmem:s18+$0x30] =	vst v7  }
0x33: {  	[tilespmem:s18+$0xFFFFFFC0] =	vst v8;
	v6 =	vld.idx.msk [tilespmem:v0+s17+$0x20 ss:$0x1], $0xffff;
	s17 =	sshra.s32 s19, $0x2;
	s19 =	sadd.s32 $0x200, s19  }
0x34: {  	_ =	sdelay $0x2  }
0x35: {  	[tilespmem:s18+$0xFFFFFFD0] =	vst v5  }
0x36: {  	v56 =	vld.idx.msk [tilespmem:v0+s17+$0x30 ss:$0x1], $0xffff;
	[tilespmem:s18+$0xFFFFFFE0] =	vst v4  }
0x37: {  	v57 =	vld.idx.msk [tilespmem:v0+s17+$0xFFFFFFC0 ss:$0x1], $0xffff;
	[tilespmem:s18+$0xFFFFFFF0] =	vst v3  }
0x38: {  	v58 =	vld.idx.msk [tilespmem:v0+s17+$0xFFFFFFD0 ss:$0x1], $0xffff;
	[tilespmem:s18+$0x0] =	vst v1  }
0x39: {  	v59 =	vld.idx.msk [tilespmem:v0+s17+$0xFFFFFFE0 ss:$0x1], $0xffff;
	[tilespmem:s18+$0x10] =	vst v2  }
0x3a: {  	v60 =	vld.idx.msk [tilespmem:v0+s17+$0xFFFFFFF0 ss:$0x1], $0xffff;
	s31 =	sadd.s32 $0x800, s18;
	[tilespmem:s18+$0x20] =	vst v6  }
0x3b: {  	v61 =	vld.idx.msk [tilespmem:v0+s17+$0x0 ss:$0x1], $0xffff;
	[tilespmem:s31+$0x30] =	vst v56  }
0x3c: {  	v62 =	vld.idx.msk [tilespmem:v0+s17+$0x10 ss:$0x1], $0xffff;
	s16 =	sadd.s32 $0x1, s16;
	[tilespmem:s31+$0xFFFFFFC0] =	vst v57  }
0x3d: {  	v63 =	vld.idx.msk [tilespmem:v0+s17+$0x20 ss:$0x1], $0xffff;
	p1 =	sne.s32 s16, $0x10;
	[tilespmem:s31+$0xFFFFFFD0] =	vst v58  }
.Ltmp4:
0x3e: {  	[tilespmem:s31+$0xFFFFFFE0] =	vst v59;
	(pc) =	sbr.rel @p1 .LBB1_3-.Ltmp4, $4  }
0x3f: {  	[tilespmem:s31+$0xFFFFFFF0] =	vst v60  }
0x40: {  	[tilespmem:s31+$0x0] =	vst v61  }
0x41: {  	[tilespmem:s31+$0x10] =	vst v62  }
0x42: {  	s13 =	sadd.s32 $0x80, s13;
	s15 =	sadd.s32 $0x400, s15;
	[tilespmem:s31+$0x20] =	vst v63  }
.Ltmp5:
0x43: {  	(pc) =	sbr.rel .LBB1_7-.Ltmp5, $4  }
0x44: {  	s12 =	sshll.u32 s12, $0xE;
	s11 =	sshll.u32 s11, $0x4  }
0x45: {  	s11 =	sand.u32 $0x7F0, s11;
	s12 =	sadd.s32 s2, s12  }
0x46: {  	s11 =	sadd.s32 s11, s12  }
0x47: {  	[hbm4b:s11+s6] =	stream.strided.scatter [tilespmem:s14], [sflag:$0x2], $0x4000, s7, s6, $0x38;
	[tilespmem:$0x10000] =	vst v63  }
.LBB1_8:
0x48: {  	_ =	sfence.sel $0x180000  }
0x49: {  	s2 =	simm.s32 $0x1;
	[bflag:$0x0] =	sbarrier.arrive $0xFFFF  }
0x4a: {  	s31 =	simm.s32 $0x2;
	[sflag:s2] =	ssyncpa.u1 $0x1  }
0x4b: {  	[sflag:s31] =	ssyncpa.u1 $0x1  }
0x4c: {  	p0 =	sne.s32 s1, $0x0;
	_ =	strace $0x9000004A  }
0x4d: {  	s0 =	sadd.s32 @!p0 $0x100000, s0;
	[bflag:$0x2] =	sbarrier.arrive $0xFFFF  }
0x4e: {  	[sflag:s0] =	ssyncadd.tile.s32 @!p0 $0x1;
	_ =	shalt  }
.Lfunc_end1:
_tile_overlayer_lowered:
.L_overlay_start_2:
0x4f: {  	(tag) =	ssettag $0x2  }
0x50: {  	s0 =	rddreg [dreg:$0x0];
	s2 =	stileid.u32  }
0x51: {  	s1 =	rddreg [dreg:$0x1];
	p0 =	sne.s32 s2, $0x0  }
0x52: {  	s3 =	rddreg [dreg:$0x2];
	[bflag:$0x3] =	sbarrier.arrive $0xFFFF;
	s2 =	simm.s32 @!p0 $0x1C01  }
0x53: {  	[timem:s3], [sflag:s2] =	dma.local @!p0 [hbm:s0], s1  }
0x54: {  	s0 =	simm.s32 @!p0 $0x1  }
0x55: {  	_ =	swait.ge @!p0 [sflag:s0], s1  }
0x56: {  	s1 =	ssub.s32 @!p0 $0x0, s1;
	[sflag:s0] =	ssyncset.done @!p0 $0x0  }
0x57: {  	[sflag:s0] =	ssyncadd.s32 @!p0 s1  }
0x58: {  	[bflag:$0x3] =	sbarrier.arrive $0xFFFF  }
0x59: {  	_ =	shalt  }

</sc_bundles>
